<compile_context>
chip_gen: v7x
topology: tpu7x:2x2x1
jax: 0.10.2.dev20260603
libtpu: 0.0.44.dev20260713+nightly
codegen_flags: <defaults>
</compile_context>

<pallas_src>
import jax
import jax.numpy as jnp
from jax import lax
from jax.experimental import pallas as pl
from jax.experimental.pallas import tpu as pltpu
from jax.experimental.pallas import tpu_sc as plsc

B = 16
T = 512
H = 1024
N = 673
NF = B * N
POS = 161
E = 200000

RB = 64
NBLK = (NF + RB - 1) // RB
NBUCK = 3 * NBLK
G = 48
EP = ((E + 2047) // 2048) * 2048
NW = 32
MAXB = (NBLK + NW - 1) // NW
OFFS_PAD = 192


def _prep_edges(edges_src, edges_tgt, edges_type):
    src = edges_src.astype(jnp.int32)
    tgt = edges_tgt.astype(jnp.int32)
    bucket = edges_type.astype(jnp.int32) * NBLK + tgt // RB
    order = jnp.argsort(bucket)
    b_s = bucket[order]
    srcp = jnp.pad(src[order], (0, 64))
    tgtp = jnp.pad(tgt[order], (0, 64))
    b2 = jnp.pad(b_s, (0, EP - E), constant_values=NBUCK + 1).reshape(EP, 1)
    first = _bucket_offsets(b2)[0]
    return srcp, tgtp, first



_HB = 2048


def _hist_body(b_ref, out_ref):
    @pl.when(pl.program_id(0) == 0)
    def _():
        out_ref[...] = jnp.zeros((8, 512), jnp.int32)

    brow = lax.broadcasted_iota(jnp.int32, (1, 512), 1)
    cmp = (b_ref[...] < brow).astype(jnp.int32)
    out_ref[0:1, :] = out_ref[0:1, :] + jnp.sum(cmp, axis=0, keepdims=True)


def _bucket_offsets(b2):
    return pl.pallas_call(
        _hist_body,
        grid=(EP // _HB,),
        in_specs=[pl.BlockSpec((_HB, 1), lambda i: (i, 0))],
        out_specs=pl.BlockSpec((8, 512), lambda i: (0, 0)),
        out_shape=jax.ShapeDtypeStruct((8, 512), jnp.int32),
    )(b2)

def _init_body(hs_ref, pos_ref, m_ref, out_ref):
    out_ref[0, :T, :] = hs_ref[0]
    mask = (m_ref[0] == 1.0).astype(jnp.float32)
    out_ref[0, T:, :] = pos_ref[...] * mask


def _init_gh(hidden_states, st_mask_f, pos_emb):
    return pl.pallas_call(
        _init_body,
        grid=(B,),
        in_specs=[
            pl.BlockSpec((1, T, H), lambda b: (b, 0, 0)),
            pl.BlockSpec((POS, H), lambda b: (0, 0)),
            pl.BlockSpec((1, POS, 1), lambda b: (b, 0, 0)),
        ],
        out_specs=pl.BlockSpec((1, N, H), lambda b: (b, 0, 0)),
        out_shape=jax.ShapeDtypeStruct((B, N, H), jnp.float32),
    )(hidden_states, pos_emb, st_mask_f)


_AVG_BR = 1024


def _avg_body(gh_ref, sum_ref, cnt_ref, out_ref):
    c = cnt_ref[...]
    pos = c > 0.0
    upd = sum_ref[...] / jnp.where(pos, c, 1.0)
    out_ref[...] = gh_ref[...] + jnp.where(pos, upd, 0.0)


def _avg_update(gh, sums, cnt):
    grid = ((NF + _AVG_BR - 1) // _AVG_BR,)
    return pl.pallas_call(
        _avg_body,
        grid=grid,
        in_specs=[
            pl.BlockSpec((_AVG_BR, H), lambda i: (i, 0)),
            pl.BlockSpec((_AVG_BR, H), lambda i: (i, 0)),
            pl.BlockSpec((_AVG_BR, 1), lambda i: (i, 0)),
        ],
        out_specs=pl.BlockSpec((_AVG_BR, H), lambda i: (i, 0)),
        out_shape=jax.ShapeDtypeStruct((NF, H), jnp.float32),
    )(gh, sums, cnt)



def _sc_round_body(gh_hbm, src_hbm, tgt_hbm, offs_hbm,
                   sum_hbm, cnt_hbm,
                   offs_v, src_v, tgt_v, tl_v, gbuf, cnt_v, acc_v, sem):
    c = lax.axis_index("c")
    s = lax.axis_index("s")
    w = s * 2 + c

    pltpu.sync_copy(offs_hbm, offs_v)

    zeros16 = jnp.zeros((16,), jnp.float32)
    ones16 = jnp.ones((16,), jnp.float32)

    def _block(bi, _):
        j = w + bi * NW

        @pl.when(j < NBLK)
        def _():
            base = j * RB
            rows = jnp.minimum(RB, NF - base)
            ngr = rows // 16

            def _zacc(i, _):
                for h in range(H // 16):
                    acc_v[i, pl.ds(h * 16, 16)] = zeros16
                return 0
            lax.fori_loop(0, RB, _zacc, 0)
            for k in range(5):
                cnt_v[pl.ds(k * 16, 16)] = zeros16

            ov = offs_v[pl.ds(j, 16)]
            st = ov[0]
            en = ov[1]
            st_al = pl.multiple_of((st // 8) * 8, 8)
            nch = (en - st_al + G - 1) // G
            lane = lax.iota(jnp.int32, 16)

            def _chunk(p, _):
                e0 = pl.multiple_of(st_al + p * G, 8)
                pltpu.sync_copy(src_hbm.at[pl.ds(e0, G)], src_v)
                gcp = pltpu.async_copy(gh_hbm.at[src_v], gbuf, sem)
                pltpu.sync_copy(tgt_hbm.at[pl.ds(e0, G)], tgt_v)
                for k in range(G // 16):
                    gidx = e0 + k * 16 + lane
                    valid = (gidx >= st) & (gidx < en)
                    t16 = tgt_v[pl.ds(k * 16, 16)]
                    tl = t16 - base
                    tloc = jnp.where(valid, tl, RB)
                    plsc.addupdate_scatter(
                        cnt_v, [tloc], jnp.where(valid, ones16, 0.0))
                    tl_v[pl.ds(k * 16, 16)] = tloc
                gcp.wait()

                def _edge(e, _):
                    r = tl_v[pl.ds(e, 16)][0]
                    for h in range(H // 16):
                        plsc.addupdate(acc_v.at[r, pl.ds(h * 16, 16)],
                                       gbuf[e, pl.ds(h * 16, 16)])
                    return 0
                lax.fori_loop(0, G, _edge, 0)
                return 0
            lax.fori_loop(0, nch, _chunk, 0)

            def _wb(g, _):
                r0 = pl.multiple_of(base + g * 16, 8)
                pltpu.sync_copy(acc_v.at[pl.ds(g * 16, 16), :],
                                sum_hbm.at[pl.ds(r0, 16), :])
                pltpu.sync_copy(cnt_v.at[pl.ds(g * 16, 16)],
                                cnt_hbm.at[pl.ds(r0, 16)])
                return 0
            lax.fori_loop(0, ngr, _wb, 0)
        return 0

    lax.fori_loop(0, MAXB, _block, 0)


@jax.jit
def _sc_round(gh, srcp, tgtp, offs_r):
    mesh = plsc.VectorSubcoreMesh(core_axis_name="c", subcore_axis_name="s")
    f = pl.kernel(
        _sc_round_body,
        mesh=mesh,
        compiler_params=pltpu.CompilerParams(needs_layout_passes=False),
        out_type=[
            jax.ShapeDtypeStruct((NF, H), jnp.float32),
            jax.ShapeDtypeStruct((NF,), jnp.float32),
        ],
        scratch_types=[
            pltpu.VMEM((OFFS_PAD,), jnp.int32),
            pltpu.VMEM((G,), jnp.int32),
            pltpu.VMEM((G,), jnp.int32),
            pltpu.VMEM((G + 16,), jnp.int32),
            pltpu.VMEM((G, H), jnp.float32),
            pltpu.VMEM((80,), jnp.float32),
            pltpu.VMEM((RB + 8, H), jnp.float32),
            pltpu.SemaphoreType.DMA,
        ],
    )
    return f(gh, srcp, tgtp, offs_r)


def kernel(hidden_states, st_mask, edges_src, edges_tgt, edges_type,
           edges_pos, pos_emb):
    del edges_pos
    srcp, tgtp, first = _prep_edges(edges_src, edges_tgt, edges_type)
    st_mask_f = st_mask.astype(jnp.float32)[:, T:].reshape(B, POS, 1)
    gh = _init_gh(hidden_states, st_mask_f, pos_emb).reshape(NF, H)
    for r in range(3):
        offs_r = jnp.pad(first[r * NBLK:(r + 1) * NBLK + 1],
                         (0, OFFS_PAD - (NBLK + 1)))
        sums, cnt = _sc_round(gh, srcp, tgtp, offs_r)
        gh = _avg_update(gh, sums, cnt.reshape(NF, 1))
    return gh.reshape(B, N, H)

# --- scband reference (transcript-rebuilt; emitter-appended) ---
"""Pipeline reference for scband-initializer-18107582120038 (READ-ONLY COPY).

The authoritative reference and input builder live on the scoring server;
editing this copy changes nothing except your own understanding.
"""

import jax, jax.numpy as jnp
import numpy as np

MAX_SENTENCE = 128
MAX_TOKEN = 512
MAX_PARAGRAPH = 32
TOKEN_TO_SENTENCE = 0
SENTENCE_TO_PARAGRAPH = 1
PARAGRAPH_TO_DOCUMENT = 2

B, T, H = 16, 512, 1024
N_NODES = MAX_TOKEN + MAX_SENTENCE + MAX_PARAGRAPH + 1  # 673
E = 200000
POS_ROWS = MAX_SENTENCE + MAX_PARAGRAPH + 1  # 161


def setup_inputs(seed: int = 0) -> dict:
    key = jax.random.key(seed)
    ks = jax.random.split(key, 8)
    hidden_states = jax.random.normal(ks[0], (B, T, H), dtype=jnp.float32)
    st_mask = jax.random.randint(ks[1], (B, N_NODES), 0, 2, dtype=jnp.int32)
    edges_src = jax.random.randint(ks[2], (E,), 0, B * N_NODES, dtype=jnp.int32)
    edges_tgt = jax.random.randint(ks[3], (E,), 0, B * N_NODES, dtype=jnp.int32)
    edges_type = jax.random.randint(ks[4], (E,), 0, 3, dtype=jnp.int32)
    edges_pos = jax.random.randint(ks[5], (E,), 0, POS_ROWS, dtype=jnp.int32)
    pos_emb = jax.random.normal(ks[6], (POS_ROWS, H), dtype=jnp.float32) * 0.02
    return {"hidden_states": hidden_states, "st_mask": st_mask,
            "edges_src": edges_src, "edges_tgt": edges_tgt,
            "edges_type": edges_type, "edges_pos": edges_pos,
            "pos_emb": pos_emb}


def average_pooling(graph_hidden, edges_src, edges_tgt, edge_mask):
    b, n, h = graph_hidden.shape
    gh = graph_hidden.reshape(b * n, h)
    m = edge_mask.astype(gh.dtype)
    src_tensor = gh[edges_src] * m[:, None]
    sum_hidden = jnp.zeros_like(gh).at[edges_tgt].add(src_tensor)
    n_edges = jnp.zeros((b * n,), dtype=gh.dtype).at[edges_tgt].add(m)
    denom = jnp.where(n_edges > 0, n_edges, 1.0)
    upd = jnp.where((n_edges > 0)[:, None], sum_hidden / denom[:, None], 0.0)
    gh = gh + upd
    return gh.reshape(b, n, h)


def reference(hidden_states, st_mask, edges_src, edges_tgt, edges_type, edges_pos, pos_emb):
    b, n = st_mask.shape
    h = hidden_states.shape[2]
    graph_hidden = jnp.zeros((b, n, h), dtype=hidden_states.dtype)
    graph_hidden = graph_hidden.at[:, :MAX_TOKEN, :].set(hidden_states)
    mask = (st_mask[:, MAX_TOKEN:] == 1)[:, :, None].astype(jnp.float32)
    graph_hidden = graph_hidden.at[:, MAX_TOKEN:, :].add(pos_emb[None, :, :] * mask)
    for et in (TOKEN_TO_SENTENCE, SENTENCE_TO_PARAGRAPH, PARAGRAPH_TO_DOCUMENT):
        edge_mask = (edges_type == et)
        graph_hidden = average_pooling(graph_hidden, edges_src, edges_tgt, edge_mask)
    return graph_hidden

if __name__ == "__main__":
    import jax
    _d = setup_inputs()
    print(jax.jit(kernel)(*tuple(_d.values())))

</pallas_src>

<mosaic_0001>
#map = affine_map<(d0, d1) -> (0, 0)>
#map1 = affine_map<(d0, d1) -> (0)>
module attributes {stable_mosaic.version = 14 : i64} {
  func.func @_sc_round_body(%arg0: i32, %arg1: i32, %arg2: memref<10768x1024xf32, #tpu.memory_space<hbm>>, %arg3: memref<200064xi32, #tpu.memory_space<hbm>>, %arg4: memref<200064xi32, #tpu.memory_space<hbm>>, %arg5: memref<192xi32, #tpu.memory_space<hbm>>, %arg6: memref<10768x1024xf32, #tpu.memory_space<hbm>>, %arg7: memref<10768xf32, #tpu.memory_space<hbm>>, %arg8: memref<192xi32, #tpu.memory_space<vmem>>, %arg9: memref<48xi32, #tpu.memory_space<vmem>>, %arg10: memref<48xi32, #tpu.memory_space<vmem>>, %arg11: memref<64xi32, #tpu.memory_space<vmem>>, %arg12: memref<48x1024xf32, #tpu.memory_space<vmem>>, %arg13: memref<80xf32, #tpu.memory_space<vmem>>, %arg14: memref<72x1024xf32, #tpu.memory_space<vmem>>, %arg15: memref<!tpu.dma_semaphore, #tpu.memory_space<semaphore_mem>>) attributes {dimension_semantics = [#tpu.dimension_semantics<core_parallel>, #tpu.dimension_semantics<subcore_parallel>], iteration_bounds = array<i64: 2, 16>, scalar_prefetch = 0 : i64, scratch_operands = 8 : i64, tpu.core_type = #tpu.core_type<sc_vector_subcore>, window_params = [{transform_indices = #map}, {transform_indices = #map1}, {transform_indices = #map1}, {transform_indices = #map1}, {transform_indices = #map}, {transform_indices = #map1}]} {
    %mul3A = arith.constant 2 : i32
    %mul3A_0 = arith.muli %arg1, %mul3A : i32
    %add3A = arith.addi %mul3A_0, %arg0 : i32
    "tpu.region"() ({
      %run_scoped3A = tpu.sem_alloc : memref<!tpu.dma_semaphore, #tpu.memory_space<semaphore_mem>>
      tpu.enqueue_dma source(%arg5 : memref<192xi32, #tpu.memory_space<hbm>>) target(%arg8 : memref<192xi32, #tpu.memory_space<vmem>>) target_semaphore(%run_scoped3A : memref<!tpu.dma_semaphore, #tpu.memory_space<semaphore_mem>>)
      tpu.wait_dma2 semaphore(%run_scoped3A : memref<!tpu.dma_semaphore, #tpu.memory_space<semaphore_mem>>) src(%arg5 : memref<192xi32, #tpu.memory_space<hbm>>) dst(%arg8 : memref<192xi32, #tpu.memory_space<vmem>>)
      tpu.yield
    }) : () -> ()
    %broadcast_in_dim3A = arith.constant 0.000000e+00 : f32
    %broadcast_in_dim3A_1 = vector.broadcast %broadcast_in_dim3A : f32 to vector<16xf32>
    %broadcast_in_dim3A_2 = arith.constant 1.000000e+00 : f32
    %broadcast_in_dim3A_3 = vector.broadcast %broadcast_in_dim3A_2 : f32 to vector<16xf32>
    %scan3A = arith.constant 0 : i32
    %scan3A_4 = arith.constant 0 : i32
    %scan3A_5 = arith.constant 6 : i32
    %scan3A_6 = arith.addi %scan3A_4, %scan3A_5 : i32
    %scan3A_7 = arith.constant 1 : i32
    %scan3A_8 = scf.for %scan3A_10 = %scan3A_4 to %scan3A_6 step %scan3A_7 iter_args(%scan3A_11 = %scan3A) -> (i32)  : i32 {
      %mul3A_12 = arith.constant 32 : i32
      %mul3A_13 = arith.muli %scan3A_10, %mul3A_12 : i32
      %add3A_14 = arith.addi %add3A, %mul3A_13 : i32
      %lt3A = arith.constant 169 : i32
      %lt3A_15 = arith.cmpi slt, %add3A_14, %lt3A : i32
      %convert_element_type3A = arith.extui %lt3A_15 : i1 to i32
      %cond3A = arith.constant 0 : i32
      %cond3A_16 = arith.cmpi ne, %convert_element_type3A, %cond3A : i32
      scf.if %cond3A_16 {
        %mul3A_18 = arith.constant 64 : i32
        %mul3A_19 = arith.muli %add3A_14, %mul3A_18 : i32
        %sub3A = arith.constant 10768 : i32
        %sub3A_20 = arith.subi %sub3A, %mul3A_19 : i32
        %min3A = arith.constant 64 : i32
        %min3A_21 = arith.minsi %min3A, %sub3A_20 : i32
        %jit3A = arith.constant 16 : i32
        %div3A = arith.divsi %min3A_21, %jit3A : i32
        %sign3A = arith.constant 0 : i32
        %sign3A_22 = arith.cmpi sgt, %min3A_21, %sign3A : i32
        %sign3A_23 = arith.extui %sign3A_22 : i1 to i32
        %sign3A_24 = arith.constant 0 : i32
        %sign3A_25 = arith.cmpi slt, %min3A_21, %sign3A_24 : i32
        %sign3A_26 = arith.extui %sign3A_25 : i1 to i32
        %sign3A_27 = arith.subi %sign3A_23, %sign3A_26 : i32
        %sign3A_28 = arith.constant 0 : i32
        %sign3A_29 = arith.cmpi sgt, %jit3A, %sign3A_28 : i32
        %sign3A_30 = arith.extui %sign3A_29 : i1 to i32
        %sign3A_31 = arith.constant 0 : i32
        %sign3A_32 = arith.cmpi slt, %jit3A, %sign3A_31 : i32
        %sign3A_33 = arith.extui %sign3A_32 : i1 to i32
        %sign3A_34 = arith.subi %sign3A_30, %sign3A_33 : i32
        %ne3A = arith.cmpi ne, %sign3A_27, %sign3A_34 : i32
        %rem3A = arith.remsi %min3A_21, %jit3A : i32
        %ne3A_35 = arith.constant 0 : i32
        %ne3A_36 = arith.cmpi ne, %rem3A, %ne3A_35 : i32
        %and3A = arith.andi %ne3A, %ne3A_36 : i1
        %sub3A_37 = arith.constant 1 : i32
        %sub3A_38 = arith.subi %div3A, %sub3A_37 : i32
        %select_n3A = arith.select %and3A, %sub3A_38, %div3A : i32
        %scan3A_39 = arith.constant 0 : i32
        %scan3A_40 = arith.constant 0 : i32
        %scan3A_41 = arith.constant 64 : i32
        %scan3A_42 = arith.addi %scan3A_40, %scan3A_41 : i32
        %scan3A_43 = arith.constant 1 : i32
        %scan3A_44 = scf.for %scan3A_136 = %scan3A_40 to %scan3A_42 step %scan3A_43 iter_args(%scan3A_137 = %scan3A_39) -> (i32)  : i32 {
          %swap3A_138 = arith.index_cast %scan3A_136 : i32 to index
          %swap3A_139 = arith.constant 0 : index
          %swap3A_140 = tpu.vector_load %arg14[%swap3A_138, %swap3A_139] {strides = array<i32>} : memref<72x1024xf32, #tpu.memory_space<vmem>>, vector<16xf32>,
          tpu.vector_store %arg14[%swap3A_138, %swap3A_139], %broadcast_in_dim3A_1 {strides = array<i32>} : memref<72x1024xf32, #tpu.memory_space<vmem>>, vector<16xf32>,
          %swap3A_141 = arith.index_cast %scan3A_136 : i32 to index
          %swap3A_142 = arith.constant 16 : index
          %swap3A_143 = tpu.vector_load %arg14[%swap3A_141, %swap3A_142] {strides = array<i32>} : memref<72x1024xf32, #tpu.memory_space<vmem>>, vector<16xf32>,
          tpu.vector_store %arg14[%swap3A_141, %swap3A_142], %broadcast_in_dim3A_1 {strides = array<i32>} : memref<72x1024xf32, #tpu.memory_space<vmem>>, vector<16xf32>,
          %swap3A_144 = arith.index_cast %scan3A_136 : i32 to index
          %swap3A_145 = arith.constant 32 : index
          %swap3A_146 = tpu.vector_load %arg14[%swap3A_144, %swap3A_145] {strides = array<i32>} : memref<72x1024xf32, #tpu.memory_space<vmem>>, vector<16xf32>,
          tpu.vector_store %arg14[%swap3A_144, %swap3A_145], %broadcast_in_dim3A_1 {strides = array<i32>} : memref<72x1024xf32, #tpu.memory_space<vmem>>, vector<16xf32>,
          %swap3A_147 = arith.index_cast %scan3A_136 : i32 to index
          %swap3A_148 = arith.constant 48 : index
          %swap3A_149 = tpu.vector_load %arg14[%swap3A_147, %swap3A_148] {strides = array<i32>} : memref<72x1024xf32, #tpu.memory_space<vmem>>, vector<16xf32>,
          tpu.vector_store %arg14[%swap3A_147, %swap3A_148], %broadcast_in_dim3A_1 {strides = array<i32>} : memref<72x1024xf32, #tpu.memory_space<vmem>>, vector<16xf32>,
          %swap3A_150 = arith.index_cast %scan3A_136 : i32 to index
          %swap3A_151 = arith.constant 64 : index
          %swap3A_152 = tpu.vector_load %arg14[%swap3A_150, %swap3A_151] {strides = array<i32>} : memref<72x1024xf32, #tpu.memory_space<vmem>>, vector<16xf32>,
          tpu.vector_store %arg14[%swap3A_150, %swap3A_151], %broadcast_in_dim3A_1 {strides = array<i32>} : memref<72x1024xf32, #tpu.memory_space<vmem>>, vector<16xf32>,
          %swap3A_153 = arith.index_cast %scan3A_136 : i32 to index
          %swap3A_154 = arith.constant 80 : index
          %swap3A_155 = tpu.vector_load %arg14[%swap3A_153, %swap3A_154] {strides = array<i32>} : memref<72x1024xf32, #tpu.memory_space<vmem>>, vector<16xf32>,
          tpu.vector_store %arg14[%swap3A_153, %swap3A_154], %broadcast_in_dim3A_1 {strides = array<i32>} : memref<72x1024xf32, #tpu.memory_space<vmem>>, vector<16xf32>,
          %swap3A_156 = arith.index_cast %scan3A_136 : i32 to index
          %swap3A_157 = arith.constant 96 : index
          %swap3A_158 = tpu.vector_load %arg14[%swap3A_156, %swap3A_157] {strides = array<i32>} : memref<72x1024xf32, #tpu.memory_space<vmem>>, vector<16xf32>,
          tpu.vector_store %arg14[%swap3A_156, %swap3A_157], %broadcast_in_dim3A_1 {strides = array<i32>} : memref<72x1024xf32, #tpu.memory_space<vmem>>, vector<16xf32>,
          %swap3A_159 = arith.index_cast %scan3A_136 : i32 to index
          %swap3A_160 = arith.constant 112 : index
          %swap3A_161 = tpu.vector_load %arg14[%swap3A_159, %swap3A_160] {strides = array<i32>} : memref<72x1024xf32, #tpu.memory_space<vmem>>, vector<16xf32>,
          tpu.vector_store %arg14[%swap3A_159, %swap3A_160], %broadcast_in_dim3A_1 {strides = array<i32>} : memref<72x1024xf32, #tpu.memory_space<vmem>>, vector<16xf32>,
          %swap3A_162 = arith.index_cast %scan3A_136 : i32 to index
          %swap3A_163 = arith.constant 128 : index
          %swap3A_164 = tpu.vector_load %arg14[%swap3A_162, %swap3A_163] {strides = array<i32>} : memref<72x1024xf32, #tpu.memory_space<vmem>>, vector<16xf32>,
          tpu.vector_store %arg14[%swap3A_162, %swap3A_163], %broadcast_in_dim3A_1 {strides = array<i32>} : memref<72x1024xf32, #tpu.memory_space<vmem>>, vector<16xf32>,
          %swap3A_165 = arith.index_cast %scan3A_136 : i32 to index
          %swap3A_166 = arith.constant 144 : index
          %swap3A_167 = tpu.vector_load %arg14[%swap3A_165, %swap3A_166] {strides = array<i32>} : memref<72x1024xf32, #tpu.memory_space<vmem>>, vector<16xf32>,
          tpu.vector_store %arg14[%swap3A_165, %swap3A_166], %broadcast_in_dim3A_1 {strides = array<i32>} : memref<72x1024xf32, #tpu.memory_space<vmem>>, vector<16xf32>,
          %swap3A_168 = arith.index_cast %scan3A_136 : i32 to index
          %swap3A_169 = arith.constant 160 : index
          %swap3A_170 = tpu.vector_load %arg14[%swap3A_168, %swap3A_169] {strides = array<i32>} : memref<72x1024xf32, #tpu.memory_space<vmem>>, vector<16xf32>,
          tpu.vector_store %arg14[%swap3A_168, %swap3A_169], %broadcast_in_dim3A_1 {strides = array<i32>} : memref<72x1024xf32, #tpu.memory_space<vmem>>, vector<16xf32>,
          %swap3A_171 = arith.index_cast %scan3A_136 : i32 to index
          %swap3A_172 = arith.constant 176 : index
          %swap3A_173 = tpu.vector_load %arg14[%swap3A_171, %swap3A_172] {strides = array<i32>} : memref<72x1024xf32, #tpu.memory_space<vmem>>, vector<16xf32>,
          tpu.vector_store %arg14[%swap3A_171, %swap3A_172], %broadcast_in_dim3A_1 {strides = array<i32>} : memref<72x1024xf32, #tpu.memory_space<vmem>>, vector<16xf32>,
          %swap3A_174 = arith.index_cast %scan3A_136 : i32 to index
          %swap3A_175 = arith.constant 192 : index
          %swap3A_176 = tpu.vector_load %arg14[%swap3A_174, %swap3A_175] {strides = array<i32>} : memref<72x1024xf32, #tpu.memory_space<vmem>>, vector<16xf32>,
          tpu.vector_store %arg14[%swap3A_174, %swap3A_175], %broadcast_in_dim3A_1 {strides = array<i32>} : memref<72x1024xf32, #tpu.memory_space<vmem>>, vector<16xf32>,
          %swap3A_177 = arith.index_cast %scan3A_136 : i32 to index
          %swap3A_178 = arith.constant 208 : index
          %swap3A_179 = tpu.vector_load %arg14[%swap3A_177, %swap3A_178] {strides = array<i32>} : memref<72x1024xf32, #tpu.memory_space<vmem>>, vector<16xf32>,
          tpu.vector_store %arg14[%swap3A_177, %swap3A_178], %broadcast_in_dim3A_1 {strides = array<i32>} : memref<72x1024xf32, #tpu.memory_space<vmem>>, vector<16xf32>,
          %swap3A_180 = arith.index_cast %scan3A_136 : i32 to index
          %swap3A_181 = arith.constant 224 : index
          %swap3A_182 = tpu.vector_load %arg14[%swap3A_180, %swap3A_181] {strides = array<i32>} : memref<72x1024xf32, #tpu.memory_space<vmem>>, vector<16xf32>,
          tpu.vector_store %arg14[%swap3A_180, %swap3A_181], %broadcast_in_dim3A_1 {strides = array<i32>} : memref<72x1024xf32, #tpu.memory_space<vmem>>, vector<16xf32>,
          %swap3A_183 = arith.index_cast %scan3A_136 : i32 to index
          %swap3A_184 = arith.constant 240 : index
          %swap3A_185 = tpu.vector_load %arg14[%swap3A_183, %swap3A_184] {strides = array<i32>} : memref<72x1024xf32, #tpu.memory_space<vmem>>, vector<16xf32>,
          tpu.vector_store %arg14[%swap3A_183, %swap3A_184], %broadcast_in_dim3A_1 {strides = array<i32>} : memref<72x1024xf32, #tpu.memory_space<vmem>>, vector<16xf32>,
          %swap3A_186 = arith.index_cast %scan3A_136 : i32 to index
          %swap3A_187 = arith.constant 256 : index
          %swap3A_188 = tpu.vector_load %arg14[%swap3A_186, %swap3A_187] {strides = array<i32>} : memref<72x1024xf32, #tpu.memory_space<vmem>>, vector<16xf32>,
          tpu.vector_store %arg14[%swap3A_186, %swap3A_187], %broadcast_in_dim3A_1 {strides = array<i32>} : memref<72x1024xf32, #tpu.memory_space<vmem>>, vector<16xf32>,
          %swap3A_189 = arith.index_cast %scan3A_136 : i32 to index
          %swap3A_190 = arith.constant 272 : index
          %swap3A_191 = tpu.vector_load %arg14[%swap3A_189, %swap3A_190] {strides = array<i32>} : memref<72x1024xf32, #tpu.memory_space<vmem>>, vector<16xf32>,
          tpu.vector_store %arg14[%swap3A_189, %swap3A_190], %broadcast_in_dim3A_1 {strides = array<i32>} : memref<72x1024xf32, #tpu.memory_space<vmem>>, vector<16xf32>,
          %swap3A_192 = arith.index_cast %scan3A_136 : i32 to index
          %swap3A_193 = arith.constant 288 : index
          %swap3A_194 = tpu.vector_load %arg14[%swap3A_192, %swap3A_193] {strides = array<i32>} : memref<72x1024xf32, #tpu.memory_space<vmem>>, vector<16xf32>,
          tpu.vector_store %arg14[%swap3A_192, %swap3A_193], %broadcast_in_dim3A_1 {strides = array<i32>} : memref<72x1024xf32, #tpu.memory_space<vmem>>, vector<16xf32>,
          %swap3A_195 = arith.index_cast %scan3A_136 : i32 to index
          %swap3A_196 = arith.constant 304 : index
          %swap3A_197 = tpu.vector_load %arg14[%swap3A_195, %swap3A_196] {strides = array<i32>} : memref<72x1024xf32, #tpu.memory_space<vmem>>, vector<16xf32>,
          tpu.vector_store %arg14[%swap3A_195, %swap3A_196], %broadcast_in_dim3A_1 {strides = array<i32>} : memref<72x1024xf32, #tpu.memory_space<vmem>>, vector<16xf32>,
          %swap3A_198 = arith.index_cast %scan3A_136 : i32 to index
          %swap3A_199 = arith.constant 320 : index
          %swap3A_200 = tpu.vector_load %arg14[%swap3A_198, %swap3A_199] {strides = array<i32>} : memref<72x1024xf32, #tpu.memory_space<vmem>>, vector<16xf32>,
          tpu.vector_store %arg14[%swap3A_198, %swap3A_199], %broadcast_in_dim3A_1 {strides = array<i32>} : memref<72x1024xf32, #tpu.memory_space<vmem>>, vector<16xf32>,
          %swap3A_201 = arith.index_cast %scan3A_136 : i32 to index
          %swap3A_202 = arith.constant 336 : index
          %swap3A_203 = tpu.vector_load %arg14[%swap3A_201, %swap3A_202] {strides = array<i32>} : memref<72x1024xf32, #tpu.memory_space<vmem>>, vector<16xf32>,
          tpu.vector_store %arg14[%swap3A_201, %swap3A_202], %broadcast_in_dim3A_1 {strides = array<i32>} : memref<72x1024xf32, #tpu.memory_space<vmem>>, vector<16xf32>,
          %swap3A_204 = arith.index_cast %scan3A_136 : i32 to index
          %swap3A_205 = arith.constant 352 : index
          %swap3A_206 = tpu.vector_load %arg14[%swap3A_204, %swap3A_205] {strides = array<i32>} : memref<72x1024xf32, #tpu.memory_space<vmem>>, vector<16xf32>,
          tpu.vector_store %arg14[%swap3A_204, %swap3A_205], %broadcast_in_dim3A_1 {strides = array<i32>} : memref<72x1024xf32, #tpu.memory_space<vmem>>, vector<16xf32>,
          %swap3A_207 = arith.index_cast %scan3A_136 : i32 to index
          %swap3A_208 = arith.constant 368 : index
          %swap3A_209 = tpu.vector_load %arg14[%swap3A_207, %swap3A_208] {strides = array<i32>} : memref<72x1024xf32, #tpu.memory_space<vmem>>, vector<16xf32>,
          tpu.vector_store %arg14[%swap3A_207, %swap3A_208], %broadcast_in_dim3A_1 {strides = array<i32>} : memref<72x1024xf32, #tpu.memory_space<vmem>>, vector<16xf32>,
          %swap3A_210 = arith.index_cast %scan3A_136 : i32 to index
          %swap3A_211 = arith.constant 384 : index
          %swap3A_212 = tpu.vector_load %arg14[%swap3A_210, %swap3A_211] {strides = array<i32>} : memref<72x1024xf32, #tpu.memory_space<vmem>>, vector<16xf32>,
          tpu.vector_store %arg14[%swap3A_210, %swap3A_211], %broadcast_in_dim3A_1 {strides = array<i32>} : memref<72x1024xf32, #tpu.memory_space<vmem>>, vector<16xf32>,
          %swap3A_213 = arith.index_cast %scan3A_136 : i32 to index
          %swap3A_214 = arith.constant 400 : index
          %swap3A_215 = tpu.vector_load %arg14[%swap3A_213, %swap3A_214] {strides = array<i32>} : memref<72x1024xf32, #tpu.memory_space<vmem>>, vector<16xf32>,
          tpu.vector_store %arg14[%swap3A_213, %swap3A_214], %broadcast_in_dim3A_1 {strides = array<i32>} : memref<72x1024xf32, #tpu.memory_space<vmem>>, vector<16xf32>,
          %swap3A_216 = arith.index_cast %scan3A_136 : i32 to index
          %swap3A_217 = arith.constant 416 : index
          %swap3A_218 = tpu.vector_load %arg14[%swap3A_216, %swap3A_217] {strides = array<i32>} : memref<72x1024xf32, #tpu.memory_space<vmem>>, vector<16xf32>,
          tpu.vector_store %arg14[%swap3A_216, %swap3A_217], %broadcast_in_dim3A_1 {strides = array<i32>} : memref<72x1024xf32, #tpu.memory_space<vmem>>, vector<16xf32>,
          %swap3A_219 = arith.index_cast %scan3A_136 : i32 to index
          %swap3A_220 = arith.constant 432 : index
          %swap3A_221 = tpu.vector_load %arg14[%swap3A_219, %swap3A_220] {strides = array<i32>} : memref<72x1024xf32, #tpu.memory_space<vmem>>, vector<16xf32>,
          tpu.vector_store %arg14[%swap3A_219, %swap3A_220], %broadcast_in_dim3A_1 {strides = array<i32>} : memref<72x1024xf32, #tpu.memory_space<vmem>>, vector<16xf32>,
          %swap3A_222 = arith.index_cast %scan3A_136 : i32 to index
          %swap3A_223 = arith.constant 448 : index
          %swap3A_224 = tpu.vector_load %arg14[%swap3A_222, %swap3A_223] {strides = array<i32>} : memref<72x1024xf32, #tpu.memory_space<vmem>>, vector<16xf32>,
          tpu.vector_store %arg14[%swap3A_222, %swap3A_223], %broadcast_in_dim3A_1 {strides = array<i32>} : memref<72x1024xf32, #tpu.memory_space<vmem>>, vector<16xf32>,
          %swap3A_225 = arith.index_cast %scan3A_136 : i32 to index
          %swap3A_226 = arith.constant 464 : index
          %swap3A_227 = tpu.vector_load %arg14[%swap3A_225, %swap3A_226] {strides = array<i32>} : memref<72x1024xf32, #tpu.memory_space<vmem>>, vector<16xf32>,
          tpu.vector_store %arg14[%swap3A_225, %swap3A_226], %broadcast_in_dim3A_1 {strides = array<i32>} : memref<72x1024xf32, #tpu.memory_space<vmem>>, vector<16xf32>,
          %swap3A_228 = arith.index_cast %scan3A_136 : i32 to index
          %swap3A_229 = arith.constant 480 : index
          %swap3A_230 = tpu.vector_load %arg14[%swap3A_228, %swap3A_229] {strides = array<i32>} : memref<72x1024xf32, #tpu.memory_space<vmem>>, vector<16xf32>,
          tpu.vector_store %arg14[%swap3A_228, %swap3A_229], %broadcast_in_dim3A_1 {strides = array<i32>} : memref<72x1024xf32, #tpu.memory_space<vmem>>, vector<16xf32>,
          %swap3A_231 = arith.index_cast %scan3A_136 : i32 to index
          %swap3A_232 = arith.constant 496 : index
          %swap3A_233 = tpu.vector_load %arg14[%swap3A_231, %swap3A_232] {strides = array<i32>} : memref<72x1024xf32, #tpu.memory_space<vmem>>, vector<16xf32>,
          tpu.vector_store %arg14[%swap3A_231, %swap3A_232], %broadcast_in_dim3A_1 {strides = array<i32>} : memref<72x1024xf32, #tpu.memory_space<vmem>>, vector<16xf32>,
          %swap3A_234 = arith.index_cast %scan3A_136 : i32 to index
          %swap3A_235 = arith.constant 512 : index
          %swap3A_236 = tpu.vector_load %arg14[%swap3A_234, %swap3A_235] {strides = array<i32>} : memref<72x1024xf32, #tpu.memory_space<vmem>>, vector<16xf32>,
          tpu.vector_store %arg14[%swap3A_234, %swap3A_235], %broadcast_in_dim3A_1 {strides = array<i32>} : memref<72x1024xf32, #tpu.memory_space<vmem>>, vector<16xf32>,
          %swap3A_237 = arith.index_cast %scan3A_136 : i32 to index
          %swap3A_238 = arith.constant 528 : index
          %swap3A_239 = tpu.vector_load %arg14[%swap3A_237, %swap3A_238] {strides = array<i32>} : memref<72x1024xf32, #tpu.memory_space<vmem>>, vector<16xf32>,
          tpu.vector_store %arg14[%swap3A_237, %swap3A_238], %broadcast_in_dim3A_1 {strides = array<i32>} : memref<72x1024xf32, #tpu.memory_space<vmem>>, vector<16xf32>,
          %swap3A_240 = arith.index_cast %scan3A_136 : i32 to index
          %swap3A_241 = arith.constant 544 : index
          %swap3A_242 = tpu.vector_load %arg14[%swap3A_240, %swap3A_241] {strides = array<i32>} : memref<72x1024xf32, #tpu.memory_space<vmem>>, vector<16xf32>,
          tpu.vector_store %arg14[%swap3A_240, %swap3A_241], %broadcast_in_dim3A_1 {strides = array<i32>} : memref<72x1024xf32, #tpu.memory_space<vmem>>, vector<16xf32>,
          %swap3A_243 = arith.index_cast %scan3A_136 : i32 to index
          %swap3A_244 = arith.constant 560 : index
          %swap3A_245 = tpu.vector_load %arg14[%swap3A_243, %swap3A_244] {strides = array<i32>} : memref<72x1024xf32, #tpu.memory_space<vmem>>, vector<16xf32>,
          tpu.vector_store %arg14[%swap3A_243, %swap3A_244], %broadcast_in_dim3A_1 {strides = array<i32>} : memref<72x1024xf32, #tpu.memory_space<vmem>>, vector<16xf32>,
          %swap3A_246 = arith.index_cast %scan3A_136 : i32 to index
          %swap3A_247 = arith.constant 576 : index
          %swap3A_248 = tpu.vector_load %arg14[%swap3A_246, %swap3A_247] {strides = array<i32>} : memref<72x1024xf32, #tpu.memory_space<vmem>>, vector<16xf32>,
          tpu.vector_store %arg14[%swap3A_246, %swap3A_247], %broadcast_in_dim3A_1 {strides = array<i32>} : memref<72x1024xf32, #tpu.memory_space<vmem>>, vector<16xf32>,
          %swap3A_249 = arith.index_cast %scan3A_136 : i32 to index
          %swap3A_250 = arith.constant 592 : index
          %swap3A_251 = tpu.vector_load %arg14[%swap3A_249, %swap3A_250] {strides = array<i32>} : memref<72x1024xf32, #tpu.memory_space<vmem>>, vector<16xf32>,
          tpu.vector_store %arg14[%swap3A_249, %swap3A_250], %broadcast_in_dim3A_1 {strides = array<i32>} : memref<72x1024xf32, #tpu.memory_space<vmem>>, vector<16xf32>,
          %swap3A_252 = arith.index_cast %scan3A_136 : i32 to index
          %swap3A_253 = arith.constant 608 : index
          %swap3A_254 = tpu.vector_load %arg14[%swap3A_252, %swap3A_253] {strides = array<i32>} : memref<72x1024xf32, #tpu.memory_space<vmem>>, vector<16xf32>,
          tpu.vector_store %arg14[%swap3A_252, %swap3A_253], %broadcast_in_dim3A_1 {strides = array<i32>} : memref<72x1024xf32, #tpu.memory_space<vmem>>, vector<16xf32>,
          %swap3A_255 = arith.index_cast %scan3A_136 : i32 to index
          %swap3A_256 = arith.constant 624 : index
          %swap3A_257 = tpu.vector_load %arg14[%swap3A_255, %swap3A_256] {strides = array<i32>} : memref<72x1024xf32, #tpu.memory_space<vmem>>, vector<16xf32>,
          tpu.vector_store %arg14[%swap3A_255, %swap3A_256], %broadcast_in_dim3A_1 {strides = array<i32>} : memref<72x1024xf32, #tpu.memory_space<vmem>>, vector<16xf32>,
          %swap3A_258 = arith.index_cast %scan3A_136 : i32 to index
          %swap3A_259 = arith.constant 640 : index
          %swap3A_260 = tpu.vector_load %arg14[%swap3A_258, %swap3A_259] {strides = array<i32>} : memref<72x1024xf32, #tpu.memory_space<vmem>>, vector<16xf32>,
          tpu.vector_store %arg14[%swap3A_258, %swap3A_259], %broadcast_in_dim3A_1 {strides = array<i32>} : memref<72x1024xf32, #tpu.memory_space<vmem>>, vector<16xf32>,
          %swap3A_261 = arith.index_cast %scan3A_136 : i32 to index
          %swap3A_262 = arith.constant 656 : index
          %swap3A_263 = tpu.vector_load %arg14[%swap3A_261, %swap3A_262] {strides = array<i32>} : memref<72x1024xf32, #tpu.memory_space<vmem>>, vector<16xf32>,
          tpu.vector_store %arg14[%swap3A_261, %swap3A_262], %broadcast_in_dim3A_1 {strides = array<i32>} : memref<72x1024xf32, #tpu.memory_space<vmem>>, vector<16xf32>,
          %swap3A_264 = arith.index_cast %scan3A_136 : i32 to index
          %swap3A_265 = arith.constant 672 : index
          %swap3A_266 = tpu.vector_load %arg14[%swap3A_264, %swap3A_265] {strides = array<i32>} : memref<72x1024xf32, #tpu.memory_space<vmem>>, vector<16xf32>,
          tpu.vector_store %arg14[%swap3A_264, %swap3A_265], %broadcast_in_dim3A_1 {strides = array<i32>} : memref<72x1024xf32, #tpu.memory_space<vmem>>, vector<16xf32>,
          %swap3A_267 = arith.index_cast %scan3A_136 : i32 to index
          %swap3A_268 = arith.constant 688 : index
          %swap3A_269 = tpu.vector_load %arg14[%swap3A_267, %swap3A_268] {strides = array<i32>} : memref<72x1024xf32, #tpu.memory_space<vmem>>, vector<16xf32>,
          tpu.vector_store %arg14[%swap3A_267, %swap3A_268], %broadcast_in_dim3A_1 {strides = array<i32>} : memref<72x1024xf32, #tpu.memory_space<vmem>>, vector<16xf32>,
          %swap3A_270 = arith.index_cast %scan3A_136 : i32 to index
          %swap3A_271 = arith.constant 704 : index
          %swap3A_272 = tpu.vector_load %arg14[%swap3A_270, %swap3A_271] {strides = array<i32>} : memref<72x1024xf32, #tpu.memory_space<vmem>>, vector<16xf32>,
          tpu.vector_store %arg14[%swap3A_270, %swap3A_271], %broadcast_in_dim3A_1 {strides = array<i32>} : memref<72x1024xf32, #tpu.memory_space<vmem>>, vector<16xf32>,
          %swap3A_273 = arith.index_cast %scan3A_136 : i32 to index
          %swap3A_274 = arith.constant 720 : index
          %swap3A_275 = tpu.vector_load %arg14[%swap3A_273, %swap3A_274] {strides = array<i32>} : memref<72x1024xf32, #tpu.memory_space<vmem>>, vector<16xf32>,
          tpu.vector_store %arg14[%swap3A_273, %swap3A_274], %broadcast_in_dim3A_1 {strides = array<i32>} : memref<72x1024xf32, #tpu.memory_space<vmem>>, vector<16xf32>,
          %swap3A_276 = arith.index_cast %scan3A_136 : i32 to index
          %swap3A_277 = arith.constant 736 : index
          %swap3A_278 = tpu.vector_load %arg14[%swap3A_276, %swap3A_277] {strides = array<i32>} : memref<72x1024xf32, #tpu.memory_space<vmem>>, vector<16xf32>,
          tpu.vector_store %arg14[%swap3A_276, %swap3A_277], %broadcast_in_dim3A_1 {strides = array<i32>} : memref<72x1024xf32, #tpu.memory_space<vmem>>, vector<16xf32>,
          %swap3A_279 = arith.index_cast %scan3A_136 : i32 to index
          %swap3A_280 = arith.constant 752 : index
          %swap3A_281 = tpu.vector_load %arg14[%swap3A_279, %swap3A_280] {strides = array<i32>} : memref<72x1024xf32, #tpu.memory_space<vmem>>, vector<16xf32>,
          tpu.vector_store %arg14[%swap3A_279, %swap3A_280], %broadcast_in_dim3A_1 {strides = array<i32>} : memref<72x1024xf32, #tpu.memory_space<vmem>>, vector<16xf32>,
          %swap3A_282 = arith.index_cast %scan3A_136 : i32 to index
          %swap3A_283 = arith.constant 768 : index
          %swap3A_284 = tpu.vector_load %arg14[%swap3A_282, %swap3A_283] {strides = array<i32>} : memref<72x1024xf32, #tpu.memory_space<vmem>>, vector<16xf32>,
          tpu.vector_store %arg14[%swap3A_282, %swap3A_283], %broadcast_in_dim3A_1 {strides = array<i32>} : memref<72x1024xf32, #tpu.memory_space<vmem>>, vector<16xf32>,
          %swap3A_285 = arith.index_cast %scan3A_136 : i32 to index
          %swap3A_286 = arith.constant 784 : index
          %swap3A_287 = tpu.vector_load %arg14[%swap3A_285, %swap3A_286] {strides = array<i32>} : memref<72x1024xf32, #tpu.memory_space<vmem>>, vector<16xf32>,
          tpu.vector_store %arg14[%swap3A_285, %swap3A_286], %broadcast_in_dim3A_1 {strides = array<i32>} : memref<72x1024xf32, #tpu.memory_space<vmem>>, vector<16xf32>,
          %swap3A_288 = arith.index_cast %scan3A_136 : i32 to index
          %swap3A_289 = arith.constant 800 : index
          %swap3A_290 = tpu.vector_load %arg14[%swap3A_288, %swap3A_289] {strides = array<i32>} : memref<72x1024xf32, #tpu.memory_space<vmem>>, vector<16xf32>,
          tpu.vector_store %arg14[%swap3A_288, %swap3A_289], %broadcast_in_dim3A_1 {strides = array<i32>} : memref<72x1024xf32, #tpu.memory_space<vmem>>, vector<16xf32>,
          %swap3A_291 = arith.index_cast %scan3A_136 : i32 to index
          %swap3A_292 = arith.constant 816 : index
          %swap3A_293 = tpu.vector_load %arg14[%swap3A_291, %swap3A_292] {strides = array<i32>} : memref<72x1024xf32, #tpu.memory_space<vmem>>, vector<16xf32>,
          tpu.vector_store %arg14[%swap3A_291, %swap3A_292], %broadcast_in_dim3A_1 {strides = array<i32>} : memref<72x1024xf32, #tpu.memory_space<vmem>>, vector<16xf32>,
          %swap3A_294 = arith.index_cast %scan3A_136 : i32 to index
          %swap3A_295 = arith.constant 832 : index
          %swap3A_296 = tpu.vector_load %arg14[%swap3A_294, %swap3A_295] {strides = array<i32>} : memref<72x1024xf32, #tpu.memory_space<vmem>>, vector<16xf32>,
          tpu.vector_store %arg14[%swap3A_294, %swap3A_295], %broadcast_in_dim3A_1 {strides = array<i32>} : memref<72x1024xf32, #tpu.memory_space<vmem>>, vector<16xf32>,
          %swap3A_297 = arith.index_cast %scan3A_136 : i32 to index
          %swap3A_298 = arith.constant 848 : index
          %swap3A_299 = tpu.vector_load %arg14[%swap3A_297, %swap3A_298] {strides = array<i32>} : memref<72x1024xf32, #tpu.memory_space<vmem>>, vector<16xf32>,
          tpu.vector_store %arg14[%swap3A_297, %swap3A_298], %broadcast_in_dim3A_1 {strides = array<i32>} : memref<72x1024xf32, #tpu.memory_space<vmem>>, vector<16xf32>,
          %swap3A_300 = arith.index_cast %scan3A_136 : i32 to index
          %swap3A_301 = arith.constant 864 : index
          %swap3A_302 = tpu.vector_load %arg14[%swap3A_300, %swap3A_301] {strides = array<i32>} : memref<72x1024xf32, #tpu.memory_space<vmem>>, vector<16xf32>,
          tpu.vector_store %arg14[%swap3A_300, %swap3A_301], %broadcast_in_dim3A_1 {strides = array<i32>} : memref<72x1024xf32, #tpu.memory_space<vmem>>, vector<16xf32>,
          %swap3A_303 = arith.index_cast %scan3A_136 : i32 to index
          %swap3A_304 = arith.constant 880 : index
          %swap3A_305 = tpu.vector_load %arg14[%swap3A_303, %swap3A_304] {strides = array<i32>} : memref<72x1024xf32, #tpu.memory_space<vmem>>, vector<16xf32>,
          tpu.vector_store %arg14[%swap3A_303, %swap3A_304], %broadcast_in_dim3A_1 {strides = array<i32>} : memref<72x1024xf32, #tpu.memory_space<vmem>>, vector<16xf32>,
          %swap3A_306 = arith.index_cast %scan3A_136 : i32 to index
          %swap3A_307 = arith.constant 896 : index
          %swap3A_308 = tpu.vector_load %arg14[%swap3A_306, %swap3A_307] {strides = array<i32>} : memref<72x1024xf32, #tpu.memory_space<vmem>>, vector<16xf32>,
          tpu.vector_store %arg14[%swap3A_306, %swap3A_307], %broadcast_in_dim3A_1 {strides = array<i32>} : memref<72x1024xf32, #tpu.memory_space<vmem>>, vector<16xf32>,
          %swap3A_309 = arith.index_cast %scan3A_136 : i32 to index
          %swap3A_310 = arith.constant 912 : index
          %swap3A_311 = tpu.vector_load %arg14[%swap3A_309, %swap3A_310] {strides = array<i32>} : memref<72x1024xf32, #tpu.memory_space<vmem>>, vector<16xf32>,
          tpu.vector_store %arg14[%swap3A_309, %swap3A_310], %broadcast_in_dim3A_1 {strides = array<i32>} : memref<72x1024xf32, #tpu.memory_space<vmem>>, vector<16xf32>,
          %swap3A_312 = arith.index_cast %scan3A_136 : i32 to index
          %swap3A_313 = arith.constant 928 : index
          %swap3A_314 = tpu.vector_load %arg14[%swap3A_312, %swap3A_313] {strides = array<i32>} : memref<72x1024xf32, #tpu.memory_space<vmem>>, vector<16xf32>,
          tpu.vector_store %arg14[%swap3A_312, %swap3A_313], %broadcast_in_dim3A_1 {strides = array<i32>} : memref<72x1024xf32, #tpu.memory_space<vmem>>, vector<16xf32>,
          %swap3A_315 = arith.index_cast %scan3A_136 : i32 to index
          %swap3A_316 = arith.constant 944 : index
          %swap3A_317 = tpu.vector_load %arg14[%swap3A_315, %swap3A_316] {strides = array<i32>} : memref<72x1024xf32, #tpu.memory_space<vmem>>, vector<16xf32>,
          tpu.vector_store %arg14[%swap3A_315, %swap3A_316], %broadcast_in_dim3A_1 {strides = array<i32>} : memref<72x1024xf32, #tpu.memory_space<vmem>>, vector<16xf32>,
          %swap3A_318 = arith.index_cast %scan3A_136 : i32 to index
          %swap3A_319 = arith.constant 960 : index
          %swap3A_320 = tpu.vector_load %arg14[%swap3A_318, %swap3A_319] {strides = array<i32>} : memref<72x1024xf32, #tpu.memory_space<vmem>>, vector<16xf32>,
          tpu.vector_store %arg14[%swap3A_318, %swap3A_319], %broadcast_in_dim3A_1 {strides = array<i32>} : memref<72x1024xf32, #tpu.memory_space<vmem>>, vector<16xf32>,
          %swap3A_321 = arith.index_cast %scan3A_136 : i32 to index
          %swap3A_322 = arith.constant 976 : index
          %swap3A_323 = tpu.vector_load %arg14[%swap3A_321, %swap3A_322] {strides = array<i32>} : memref<72x1024xf32, #tpu.memory_space<vmem>>, vector<16xf32>,
          tpu.vector_store %arg14[%swap3A_321, %swap3A_322], %broadcast_in_dim3A_1 {strides = array<i32>} : memref<72x1024xf32, #tpu.memory_space<vmem>>, vector<16xf32>,
          %swap3A_324 = arith.index_cast %scan3A_136 : i32 to index
          %swap3A_325 = arith.constant 992 : index
          %swap3A_326 = tpu.vector_load %arg14[%swap3A_324, %swap3A_325] {strides = array<i32>} : memref<72x1024xf32, #tpu.memory_space<vmem>>, vector<16xf32>,
          tpu.vector_store %arg14[%swap3A_324, %swap3A_325], %broadcast_in_dim3A_1 {strides = array<i32>} : memref<72x1024xf32, #tpu.memory_space<vmem>>, vector<16xf32>,
          %swap3A_327 = arith.index_cast %scan3A_136 : i32 to index
          %swap3A_328 = arith.constant 1008 : index
          %swap3A_329 = tpu.vector_load %arg14[%swap3A_327, %swap3A_328] {strides = array<i32>} : memref<72x1024xf32, #tpu.memory_space<vmem>>, vector<16xf32>,
          tpu.vector_store %arg14[%swap3A_327, %swap3A_328], %broadcast_in_dim3A_1 {strides = array<i32>} : memref<72x1024xf32, #tpu.memory_space<vmem>>, vector<16xf32>,
          %scan3A_330 = arith.constant 0 : i32
          scf.yield %scan3A_330 : i32
        }
        %scan3A_45 = arith.constant 64 : i32
        %swap3A = arith.constant 0 : index
        %swap3A_46 = tpu.vector_load %arg13[%swap3A] {strides = array<i32>} : memref<80xf32, #tpu.memory_space<vmem>>, vector<16xf32>,
        tpu.vector_store %arg13[%swap3A], %broadcast_in_dim3A_1 {strides = array<i32>} : memref<80xf32, #tpu.memory_space<vmem>>, vector<16xf32>,
        %swap3A_47 = arith.constant 16 : index
        %swap3A_48 = tpu.vector_load %arg13[%swap3A_47] {strides = array<i32>} : memref<80xf32, #tpu.memory_space<vmem>>, vector<16xf32>,
        tpu.vector_store %arg13[%swap3A_47], %broadcast_in_dim3A_1 {strides = array<i32>} : memref<80xf32, #tpu.memory_space<vmem>>, vector<16xf32>,
        %swap3A_49 = arith.constant 32 : index
        %swap3A_50 = tpu.vector_load %arg13[%swap3A_49] {strides = array<i32>} : memref<80xf32, #tpu.memory_space<vmem>>, vector<16xf32>,
        tpu.vector_store %arg13[%swap3A_49], %broadcast_in_dim3A_1 {strides = array<i32>} : memref<80xf32, #tpu.memory_space<vmem>>, vector<16xf32>,
        %swap3A_51 = arith.constant 48 : index
        %swap3A_52 = tpu.vector_load %arg13[%swap3A_51] {strides = array<i32>} : memref<80xf32, #tpu.memory_space<vmem>>, vector<16xf32>,
        tpu.vector_store %arg13[%swap3A_51], %broadcast_in_dim3A_1 {strides = array<i32>} : memref<80xf32, #tpu.memory_space<vmem>>, vector<16xf32>,
        %swap3A_53 = arith.constant 64 : index
        %swap3A_54 = tpu.vector_load %arg13[%swap3A_53] {strides = array<i32>} : memref<80xf32, #tpu.memory_space<vmem>>, vector<16xf32>,
        tpu.vector_store %arg13[%swap3A_53], %broadcast_in_dim3A_1 {strides = array<i32>} : memref<80xf32, #tpu.memory_space<vmem>>, vector<16xf32>,
        %get3A = arith.index_cast %add3A_14 : i32 to index
        %get3A_55 = tpu.vector_load %arg8[%get3A] {strides = array<i32>} : memref<192xi32, #tpu.memory_space<vmem>>, vector<16xi32>,
        %slice3A = vector.extract_strided_slice %get3A_55 {offsets = [0], sizes = [1], strides = [1]} : vector<16xi32> to vector<1xi32>
        %squeeze3A = vector.extract %slice3A[0] : i32 from vector<1xi32>
        %slice3A_56 = vector.extract_strided_slice %get3A_55 {offsets = [1], sizes = [1], strides = [1]} : vector<16xi32> to vector<1xi32>
        %squeeze3A_57 = vector.extract %slice3A_56[0] : i32 from vector<1xi32>
        %jit3A_58 = arith.constant 8 : i32
        %div3A_59 = arith.divsi %squeeze3A, %jit3A_58 : i32
        %sign3A_60 = arith.constant 0 : i32
        %sign3A_61 = arith.cmpi sgt, %squeeze3A, %sign3A_60 : i32
        %sign3A_62 = arith.extui %sign3A_61 : i1 to i32
        %sign3A_63 = arith.constant 0 : i32
        %sign3A_64 = arith.cmpi slt, %squeeze3A, %sign3A_63 : i32
        %sign3A_65 = arith.extui %sign3A_64 : i1 to i32
        %sign3A_66 = arith.subi %sign3A_62, %sign3A_65 : i32
        %sign3A_67 = arith.constant 0 : i32
        %sign3A_68 = arith.cmpi sgt, %jit3A_58, %sign3A_67 : i32
        %sign3A_69 = arith.extui %sign3A_68 : i1 to i32
        %sign3A_70 = arith.constant 0 : i32
        %sign3A_71 = arith.cmpi slt, %jit3A_58, %sign3A_70 : i32
        %sign3A_72 = arith.extui %sign3A_71 : i1 to i32
        %sign3A_73 = arith.subi %sign3A_69, %sign3A_72 : i32
        %ne3A_74 = arith.cmpi ne, %sign3A_66, %sign3A_73 : i32
        %rem3A_75 = arith.remsi %squeeze3A, %jit3A_58 : i32
        %ne3A_76 = arith.constant 0 : i32
        %ne3A_77 = arith.cmpi ne, %rem3A_75, %ne3A_76 : i32
        %and3A_78 = arith.andi %ne3A_74, %ne3A_77 : i1
        %sub3A_79 = arith.constant 1 : i32
        %sub3A_80 = arith.subi %div3A_59, %sub3A_79 : i32
        %select_n3A_81 = arith.select %and3A_78, %sub3A_80, %div3A_59 : i32
        %mul3A_82 = arith.constant 8 : i32
        %mul3A_83 = arith.muli %select_n3A_81, %mul3A_82 : i32
        %multiple_of3A = tpu.assume_multiple %mul3A_83, 8 : i32
        %sub3A_84 = arith.subi %squeeze3A_57, %multiple_of3A : i32
        %add3A_85 = arith.constant 48 : i32
        %add3A_86 = arith.addi %sub3A_84, %add3A_85 : i32
        %sub3A_87 = arith.constant 1 : i32
        %sub3A_88 = arith.subi %add3A_86, %sub3A_87 : i32
        %jit3A_89 = arith.constant 48 : i32
        %div3A_90 = arith.divsi %sub3A_88, %jit3A_89 : i32
        %sign3A_91 = arith.constant 0 : i32
        %sign3A_92 = arith.cmpi sgt, %sub3A_88, %sign3A_91 : i32
        %sign3A_93 = arith.extui %sign3A_92 : i1 to i32
        %sign3A_94 = arith.constant 0 : i32
        %sign3A_95 = arith.cmpi slt, %sub3A_88, %sign3A_94 : i32
        %sign3A_96 = arith.extui %sign3A_95 : i1 to i32
        %sign3A_97 = arith.subi %sign3A_93, %sign3A_96 : i32
        %sign3A_98 = arith.constant 0 : i32
        %sign3A_99 = arith.cmpi sgt, %jit3A_89, %sign3A_98 : i32
        %sign3A_100 = arith.extui %sign3A_99 : i1 to i32
        %sign3A_101 = arith.constant 0 : i32
        %sign3A_102 = arith.cmpi slt, %jit3A_89, %sign3A_101 : i32
        %sign3A_103 = arith.extui %sign3A_102 : i1 to i32
        %sign3A_104 = arith.subi %sign3A_100, %sign3A_103 : i32
        %ne3A_105 = arith.cmpi ne, %sign3A_97, %sign3A_104 : i32
        %rem3A_106 = arith.remsi %sub3A_88, %jit3A_89 : i32
        %ne3A_107 = arith.constant 0 : i32
        %ne3A_108 = arith.cmpi ne, %rem3A_106, %ne3A_107 : i32
        %and3A_109 = arith.andi %ne3A_105, %ne3A_108 : i1
        %sub3A_110 = arith.constant 1 : i32
        %sub3A_111 = arith.subi %div3A_90, %sub3A_110 : i32
        %select_n3A_112 = arith.select %and3A_109, %sub3A_111, %div3A_90 : i32
        %iota3A = tpu.iota {dimensions = array<i32: 0>} : vector<16xi32>
        %while3A = arith.constant 0 : i32
        %while3A_113 = arith.constant 0 : i32
        %while3A_114 = arith.subi %select_n3A_112, %while3A : i32
        %while3A_115 = arith.addi %while3A, %while3A_114 : i32
        %while3A_116 = arith.constant 1 : i32
        %while3A_117 = arith.divsi %while3A_114, %while3A_116 : i32
        %while3A_118 = arith.muli %while3A_117, %while3A_116 : i32
        %while3A_119 = arith.addi %while3A, %while3A_118 : i32
        %while3A_120 = arith.constant 1 : i32
        %while3A_121 = scf.for %while3A_136 = %while3A to %while3A_119 step %while3A_120 iter_args(%while3A_137 = %while3A_113) -> (i32)  : i32 {
          %mul3A_138 = arith.constant 48 : i32
          %mul3A_139 = arith.muli %while3A_136, %mul3A_138 : i32
          %add3A_140 = arith.addi %multiple_of3A, %mul3A_139 : i32
          %multiple_of3A_141 = tpu.assume_multiple %add3A_140, 8 : i32
          "tpu.region"() ({
            %run_scoped3A = tpu.sem_alloc : memref<!tpu.dma_semaphore, #tpu.memory_space<semaphore_mem>>
            %dma_start3A_216 = tpu.memref_slice %arg3[%multiple_of3A_141] : memref<200064xi32, #tpu.memory_space<hbm>> -> memref<48xi32, #tpu.memory_space<hbm>>
            %dma_start3A_217 = tpu.memref_slice %arg3[%multiple_of3A_141] : memref<200064xi32, #tpu.memory_space<hbm>> -> memref<48xi32, #tpu.memory_space<hbm>>
            tpu.enqueue_dma source(%dma_start3A_217 : memref<48xi32, #tpu.memory_space<hbm>>) target(%arg9 : memref<48xi32, #tpu.memory_space<vmem>>) target_semaphore(%run_scoped3A : memref<!tpu.dma_semaphore, #tpu.memory_space<semaphore_mem>>)
            %dma_wait3A_218 = tpu.memref_slice %arg3[%multiple_of3A_141] : memref<200064xi32, #tpu.memory_space<hbm>> -> memref<48xi32, #tpu.memory_space<hbm>>
            %dma_wait3A_219 = tpu.memref_slice %arg3[%multiple_of3A_141] : memref<200064xi32, #tpu.memory_space<hbm>> -> memref<48xi32, #tpu.memory_space<hbm>>
            tpu.wait_dma2 semaphore(%run_scoped3A : memref<!tpu.dma_semaphore, #tpu.memory_space<semaphore_mem>>) src(%dma_wait3A_219 : memref<48xi32, #tpu.memory_space<hbm>>) dst(%arg9 : memref<48xi32, #tpu.memory_space<vmem>>)
            tpu.yield
          }) : () -> ()
          %dma_start3A = arith.constant 0 : i32
          %dma_start3A_142 = arith.constant 0 : i32
          %dma_start3A_143 = tpu.memref_slice %arg2[%dma_start3A, %dma_start3A_142] : memref<10768x1024xf32, #tpu.memory_space<hbm>> -> memref<10768x1024xf32, #tpu.memory_space<hbm>>
          tpu.enqueue_indirect_dma source(%dma_start3A_143 : memref<10768x1024xf32, #tpu.memory_space<hbm>>) target(%arg12 : memref<48x1024xf32, #tpu.memory_space<vmem>>) offsets(%arg9 : memref<48xi32, #tpu.memory_space<vmem>>) semaphore(%arg15 : memref<!tpu.dma_semaphore, #tpu.memory_space<semaphore_mem>>)
          "tpu.region"() ({
            %run_scoped3A = tpu.sem_alloc : memref<!tpu.dma_semaphore, #tpu.memory_space<semaphore_mem>>
            %dma_start3A_216 = tpu.memref_slice %arg4[%multiple_of3A_141] : memref<200064xi32, #tpu.memory_space<hbm>> -> memref<48xi32, #tpu.memory_space<hbm>>
            %dma_start3A_217 = tpu.memref_slice %arg4[%multiple_of3A_141] : memref<200064xi32, #tpu.memory_space<hbm>> -> memref<48xi32, #tpu.memory_space<hbm>>
            tpu.enqueue_dma source(%dma_start3A_217 : memref<48xi32, #tpu.memory_space<hbm>>) target(%arg10 : memref<48xi32, #tpu.memory_space<vmem>>) target_semaphore(%run_scoped3A : memref<!tpu.dma_semaphore, #tpu.memory_space<semaphore_mem>>)
            %dma_wait3A_218 = tpu.memref_slice %arg4[%multiple_of3A_141] : memref<200064xi32, #tpu.memory_space<hbm>> -> memref<48xi32, #tpu.memory_space<hbm>>
            %dma_wait3A_219 = tpu.memref_slice %arg4[%multiple_of3A_141] : memref<200064xi32, #tpu.memory_space<hbm>> -> memref<48xi32, #tpu.memory_space<hbm>>
            tpu.wait_dma2 semaphore(%run_scoped3A : memref<!tpu.dma_semaphore, #tpu.memory_space<semaphore_mem>>) src(%dma_wait3A_219 : memref<48xi32, #tpu.memory_space<hbm>>) dst(%arg10 : memref<48xi32, #tpu.memory_space<vmem>>)
            tpu.yield
          }) : () -> ()
          %add3A_144 = arith.constant 0 : i32
          %add3A_145 = arith.addi %multiple_of3A_141, %add3A_144 : i32
          %add3A_146 = vector.broadcast %add3A_145 : i32 to vector<16xi32>
          %add3A_147 = arith.addi %add3A_146, %iota3A : vector<16xi32>
          %ge3A = vector.broadcast %squeeze3A : i32 to vector<16xi32>
          %ge3A_148 = arith.cmpi sge, %add3A_147, %ge3A : vector<16xi32>
          %lt3A_149 = vector.broadcast %squeeze3A_57 : i32 to vector<16xi32>
          %lt3A_150 = arith.cmpi slt, %add3A_147, %lt3A_149 : vector<16xi32>
          %and3A_151 = arith.andi %ge3A_148, %lt3A_150 : vector<16xi1>
          %get3A_152 = arith.constant 0 : index
          %get3A_153 = tpu.vector_load %arg10[%get3A_152] {strides = array<i32>} : memref<48xi32, #tpu.memory_space<vmem>>, vector<16xi32>,
          %sub3A_154 = vector.broadcast %mul3A_19 : i32 to vector<16xi32>
          %sub3A_155 = arith.subi %get3A_153, %sub3A_154 : vector<16xi32>
          %jit3A_156 = arith.constant 64 : i32
          %broadcast_in_dim3A_157 = vector.broadcast %jit3A_156 : i32 to vector<16xi32>
          %select_n3A_158 = arith.select %and3A_151, %sub3A_155, %broadcast_in_dim3A_157 : vector<16xi1>, vector<16xi32>
          %jit3A_159 = arith.constant 0.000000e+00 : f32
          %broadcast_in_dim3A_160 = vector.broadcast %jit3A_159 : f32 to vector<16xf32>
          %select_n3A_161 = arith.select %and3A_151, %broadcast_in_dim3A_3, %broadcast_in_dim3A_160 : vector<16xi1>, vector<16xf32>
          tpu.vector_store_idx %arg13[%select_n3A_158], %select_n3A_161 {add = true} : memref<80xf32, #tpu.memory_space<vmem>>[vector<16xi32>], vector<16xf32>,
          %swap3A_162 = arith.constant 0 : index
          %swap3A_163 = tpu.vector_load %arg11[%swap3A_162] {strides = array<i32>} : memref<64xi32, #tpu.memory_space<vmem>>, vector<16xi32>,
          tpu.vector_store %arg11[%swap3A_162], %select_n3A_158 {strides = array<i32>} : memref<64xi32, #tpu.memory_space<vmem>>, vector<16xi32>,
          %add3A_164 = arith.constant 16 : i32
          %add3A_165 = arith.addi %multiple_of3A_141, %add3A_164 : i32
          %add3A_166 = vector.broadcast %add3A_165 : i32 to vector<16xi32>
          %add3A_167 = arith.addi %add3A_166, %iota3A : vector<16xi32>
          %ge3A_168 = vector.broadcast %squeeze3A : i32 to vector<16xi32>
          %ge3A_169 = arith.cmpi sge, %add3A_167, %ge3A_168 : vector<16xi32>
          %lt3A_170 = vector.broadcast %squeeze3A_57 : i32 to vector<16xi32>
          %lt3A_171 = arith.cmpi slt, %add3A_167, %lt3A_170 : vector<16xi32>
          %and3A_172 = arith.andi %ge3A_169, %lt3A_171 : vector<16xi1>
          %get3A_173 = arith.constant 16 : index
          %get3A_174 = tpu.vector_load %arg10[%get3A_173] {strides = array<i32>} : memref<48xi32, #tpu.memory_space<vmem>>, vector<16xi32>,
          %sub3A_175 = vector.broadcast %mul3A_19 : i32 to vector<16xi32>
          %sub3A_176 = arith.subi %get3A_174, %sub3A_175 : vector<16xi32>
          %jit3A_177 = arith.constant 64 : i32
          %broadcast_in_dim3A_178 = vector.broadcast %jit3A_177 : i32 to vector<16xi32>
          %select_n3A_179 = arith.select %and3A_172, %sub3A_176, %broadcast_in_dim3A_178 : vector<16xi1>, vector<16xi32>
          %jit3A_180 = arith.constant 0.000000e+00 : f32
          %broadcast_in_dim3A_181 = vector.broadcast %jit3A_180 : f32 to vector<16xf32>
          %select_n3A_182 = arith.select %and3A_172, %broadcast_in_dim3A_3, %broadcast_in_dim3A_181 : vector<16xi1>, vector<16xf32>
          tpu.vector_store_idx %arg13[%select_n3A_179], %select_n3A_182 {add = true} : memref<80xf32, #tpu.memory_space<vmem>>[vector<16xi32>], vector<16xf32>,
          %swap3A_183 = arith.constant 16 : index
          %swap3A_184 = tpu.vector_load %arg11[%swap3A_183] {strides = array<i32>} : memref<64xi32, #tpu.memory_space<vmem>>, vector<16xi32>,
          tpu.vector_store %arg11[%swap3A_183], %select_n3A_179 {strides = array<i32>} : memref<64xi32, #tpu.memory_space<vmem>>, vector<16xi32>,
          %add3A_185 = arith.constant 32 : i32
          %add3A_186 = arith.addi %multiple_of3A_141, %add3A_185 : i32
          %add3A_187 = vector.broadcast %add3A_186 : i32 to vector<16xi32>
          %add3A_188 = arith.addi %add3A_187, %iota3A : vector<16xi32>
          %ge3A_189 = vector.broadcast %squeeze3A : i32 to vector<16xi32>
          %ge3A_190 = arith.cmpi sge, %add3A_188, %ge3A_189 : vector<16xi32>
          %lt3A_191 = vector.broadcast %squeeze3A_57 : i32 to vector<16xi32>
          %lt3A_192 = arith.cmpi slt, %add3A_188, %lt3A_191 : vector<16xi32>
          %and3A_193 = arith.andi %ge3A_190, %lt3A_192 : vector<16xi1>
          %get3A_194 = arith.constant 32 : index
          %get3A_195 = tpu.vector_load %arg10[%get3A_194] {strides = array<i32>} : memref<48xi32, #tpu.memory_space<vmem>>, vector<16xi32>,
          %sub3A_196 = vector.broadcast %mul3A_19 : i32 to vector<16xi32>
          %sub3A_197 = arith.subi %get3A_195, %sub3A_196 : vector<16xi32>
          %jit3A_198 = arith.constant 64 : i32
          %broadcast_in_dim3A_199 = vector.broadcast %jit3A_198 : i32 to vector<16xi32>
          %select_n3A_200 = arith.select %and3A_193, %sub3A_197, %broadcast_in_dim3A_199 : vector<16xi1>, vector<16xi32>
          %jit3A_201 = arith.constant 0.000000e+00 : f32
          %broadcast_in_dim3A_202 = vector.broadcast %jit3A_201 : f32 to vector<16xf32>
          %select_n3A_203 = arith.select %and3A_193, %broadcast_in_dim3A_3, %broadcast_in_dim3A_202 : vector<16xi1>, vector<16xf32>
          tpu.vector_store_idx %arg13[%select_n3A_200], %select_n3A_203 {add = true} : memref<80xf32, #tpu.memory_space<vmem>>[vector<16xi32>], vector<16xf32>,
          %swap3A_204 = arith.constant 32 : index
          %swap3A_205 = tpu.vector_load %arg11[%swap3A_204] {strides = array<i32>} : memref<64xi32, #tpu.memory_space<vmem>>, vector<16xi32>,
          tpu.vector_store %arg11[%swap3A_204], %select_n3A_200 {strides = array<i32>} : memref<64xi32, #tpu.memory_space<vmem>>, vector<16xi32>,
          %dma_wait3A = arith.constant 0 : i32
          %dma_wait3A_206 = arith.constant 0 : i32
          %dma_wait3A_207 = tpu.memref_slice %arg2[%dma_wait3A, %dma_wait3A_206] : memref<10768x1024xf32, #tpu.memory_space<hbm>> -> memref<10768x1024xf32, #tpu.memory_space<hbm>>
          tpu.wait_indirect_dma semaphore(%arg15 : memref<!tpu.dma_semaphore, #tpu.memory_space<semaphore_mem>>) src(%dma_wait3A_207 : memref<10768x1024xf32, #tpu.memory_space<hbm>>) dst(%arg12 : memref<48x1024xf32, #tpu.memory_space<vmem>>)
          %scan3A_208 = arith.constant 0 : i32
          %scan3A_209 = arith.constant 0 : i32
          %scan3A_210 = arith.constant 48 : i32
          %scan3A_211 = arith.addi %scan3A_209, %scan3A_210 : i32
          %scan3A_212 = arith.constant 1 : i32
          %scan3A_213 = scf.for %scan3A_216 = %scan3A_209 to %scan3A_211 step %scan3A_212 iter_args(%scan3A_217 = %scan3A_208) -> (i32)  : i32 {
            %get3A_218 = arith.index_cast %scan3A_216 : i32 to index
            %get3A_219 = tpu.vector_load %arg11[%get3A_218] {strides = array<i32>} : memref<64xi32, #tpu.memory_space<vmem>>, vector<16xi32>,
            %slice3A_220 = vector.extract_strided_slice %get3A_219 {offsets = [0], sizes = [1], strides = [1]} : vector<16xi32> to vector<1xi32>
            %squeeze3A_221 = vector.extract %slice3A_220[0] : i32 from vector<1xi32>
            %get3A_222 = arith.index_cast %scan3A_216 : i32 to index
            %get3A_223 = arith.constant 0 : index
            %get3A_224 = tpu.vector_load %arg12[%get3A_222, %get3A_223] {strides = array<i32>} : memref<48x1024xf32, #tpu.memory_space<vmem>>, vector<16xf32>,
            %swap3A_225 = arith.index_cast %squeeze3A_221 : i32 to index
            %swap3A_226 = arith.constant 0 : index
            %swap3A_227 = tpu.vector_load %arg14[%swap3A_225, %swap3A_226] {strides = array<i32>} : memref<72x1024xf32, #tpu.memory_space<vmem>>, vector<16xf32>,
            tpu.vector_store %arg14[%swap3A_225, %swap3A_226], %get3A_224 {add = true, strides = array<i32>} : memref<72x1024xf32, #tpu.memory_space<vmem>>, vector<16xf32>,
            %get3A_228 = arith.index_cast %scan3A_216 : i32 to index
            %get3A_229 = arith.constant 16 : index
            %get3A_230 = tpu.vector_load %arg12[%get3A_228, %get3A_229] {strides = array<i32>} : memref<48x1024xf32, #tpu.memory_space<vmem>>, vector<16xf32>,
            %swap3A_231 = arith.index_cast %squeeze3A_221 : i32 to index
            %swap3A_232 = arith.constant 16 : index
            %swap3A_233 = tpu.vector_load %arg14[%swap3A_231, %swap3A_232] {strides = array<i32>} : memref<72x1024xf32, #tpu.memory_space<vmem>>, vector<16xf32>,
            tpu.vector_store %arg14[%swap3A_231, %swap3A_232], %get3A_230 {add = true, strides = array<i32>} : memref<72x1024xf32, #tpu.memory_space<vmem>>, vector<16xf32>,
            %get3A_234 = arith.index_cast %scan3A_216 : i32 to index
            %get3A_235 = arith.constant 32 : index
            %get3A_236 = tpu.vector_load %arg12[%get3A_234, %get3A_235] {strides = array<i32>} : memref<48x1024xf32, #tpu.memory_space<vmem>>, vector<16xf32>,
            %swap3A_237 = arith.index_cast %squeeze3A_221 : i32 to index
            %swap3A_238 = arith.constant 32 : index
            %swap3A_239 = tpu.vector_load %arg14[%swap3A_237, %swap3A_238] {strides = array<i32>} : memref<72x1024xf32, #tpu.memory_space<vmem>>, vector<16xf32>,
            tpu.vector_store %arg14[%swap3A_237, %swap3A_238], %get3A_236 {add = true, strides = array<i32>} : memref<72x1024xf32, #tpu.memory_space<vmem>>, vector<16xf32>,
            %get3A_240 = arith.index_cast %scan3A_216 : i32 to index
            %get3A_241 = arith.constant 48 : index
            %get3A_242 = tpu.vector_load %arg12[%get3A_240, %get3A_241] {strides = array<i32>} : memref<48x1024xf32, #tpu.memory_space<vmem>>, vector<16xf32>,
            %swap3A_243 = arith.index_cast %squeeze3A_221 : i32 to index
            %swap3A_244 = arith.constant 48 : index
            %swap3A_245 = tpu.vector_load %arg14[%swap3A_243, %swap3A_244] {strides = array<i32>} : memref<72x1024xf32, #tpu.memory_space<vmem>>, vector<16xf32>,
            tpu.vector_store %arg14[%swap3A_243, %swap3A_244], %get3A_242 {add = true, strides = array<i32>} : memref<72x1024xf32, #tpu.memory_space<vmem>>, vector<16xf32>,
            %get3A_246 = arith.index_cast %scan3A_216 : i32 to index
            %get3A_247 = arith.constant 64 : index
            %get3A_248 = tpu.vector_load %arg12[%get3A_246, %get3A_247] {strides = array<i32>} : memref<48x1024xf32, #tpu.memory_space<vmem>>, vector<16xf32>,
            %swap3A_249 = arith.index_cast %squeeze3A_221 : i32 to index
            %swap3A_250 = arith.constant 64 : index
            %swap3A_251 = tpu.vector_load %arg14[%swap3A_249, %swap3A_250] {strides = array<i32>} : memref<72x1024xf32, #tpu.memory_space<vmem>>, vector<16xf32>,
            tpu.vector_store %arg14[%swap3A_249, %swap3A_250], %get3A_248 {add = true, strides = array<i32>} : memref<72x1024xf32, #tpu.memory_space<vmem>>, vector<16xf32>,
            %get3A_252 = arith.index_cast %scan3A_216 : i32 to index
            %get3A_253 = arith.constant 80 : index
            %get3A_254 = tpu.vector_load %arg12[%get3A_252, %get3A_253] {strides = array<i32>} : memref<48x1024xf32, #tpu.memory_space<vmem>>, vector<16xf32>,
            %swap3A_255 = arith.index_cast %squeeze3A_221 : i32 to index
            %swap3A_256 = arith.constant 80 : index
            %swap3A_257 = tpu.vector_load %arg14[%swap3A_255, %swap3A_256] {strides = array<i32>} : memref<72x1024xf32, #tpu.memory_space<vmem>>, vector<16xf32>,
            tpu.vector_store %arg14[%swap3A_255, %swap3A_256], %get3A_254 {add = true, strides = array<i32>} : memref<72x1024xf32, #tpu.memory_space<vmem>>, vector<16xf32>,
            %get3A_258 = arith.index_cast %scan3A_216 : i32 to index
            %get3A_259 = arith.constant 96 : index
            %get3A_260 = tpu.vector_load %arg12[%get3A_258, %get3A_259] {strides = array<i32>} : memref<48x1024xf32, #tpu.memory_space<vmem>>, vector<16xf32>,
            %swap3A_261 = arith.index_cast %squeeze3A_221 : i32 to index
            %swap3A_262 = arith.constant 96 : index
            %swap3A_263 = tpu.vector_load %arg14[%swap3A_261, %swap3A_262] {strides = array<i32>} : memref<72x1024xf32, #tpu.memory_space<vmem>>, vector<16xf32>,
            tpu.vector_store %arg14[%swap3A_261, %swap3A_262], %get3A_260 {add = true, strides = array<i32>} : memref<72x1024xf32, #tpu.memory_space<vmem>>, vector<16xf32>,
            %get3A_264 = arith.index_cast %scan3A_216 : i32 to index
            %get3A_265 = arith.constant 112 : index
            %get3A_266 = tpu.vector_load %arg12[%get3A_264, %get3A_265] {strides = array<i32>} : memref<48x1024xf32, #tpu.memory_space<vmem>>, vector<16xf32>,
            %swap3A_267 = arith.index_cast %squeeze3A_221 : i32 to index
            %swap3A_268 = arith.constant 112 : index
            %swap3A_269 = tpu.vector_load %arg14[%swap3A_267, %swap3A_268] {strides = array<i32>} : memref<72x1024xf32, #tpu.memory_space<vmem>>, vector<16xf32>,
            tpu.vector_store %arg14[%swap3A_267, %swap3A_268], %get3A_266 {add = true, strides = array<i32>} : memref<72x1024xf32, #tpu.memory_space<vmem>>, vector<16xf32>,
            %get3A_270 = arith.index_cast %scan3A_216 : i32 to index
            %get3A_271 = arith.constant 128 : index
            %get3A_272 = tpu.vector_load %arg12[%get3A_270, %get3A_271] {strides = array<i32>} : memref<48x1024xf32, #tpu.memory_space<vmem>>, vector<16xf32>,
            %swap3A_273 = arith.index_cast %squeeze3A_221 : i32 to index
            %swap3A_274 = arith.constant 128 : index
            %swap3A_275 = tpu.vector_load %arg14[%swap3A_273, %swap3A_274] {strides = array<i32>} : memref<72x1024xf32, #tpu.memory_space<vmem>>, vector<16xf32>,
            tpu.vector_store %arg14[%swap3A_273, %swap3A_274], %get3A_272 {add = true, strides = array<i32>} : memref<72x1024xf32, #tpu.memory_space<vmem>>, vector<16xf32>,
            %get3A_276 = arith.index_cast %scan3A_216 : i32 to index
            %get3A_277 = arith.constant 144 : index
            %get3A_278 = tpu.vector_load %arg12[%get3A_276, %get3A_277] {strides = array<i32>} : memref<48x1024xf32, #tpu.memory_space<vmem>>, vector<16xf32>,
            %swap3A_279 = arith.index_cast %squeeze3A_221 : i32 to index
            %swap3A_280 = arith.constant 144 : index
            %swap3A_281 = tpu.vector_load %arg14[%swap3A_279, %swap3A_280] {strides = array<i32>} : memref<72x1024xf32, #tpu.memory_space<vmem>>, vector<16xf32>,
            tpu.vector_store %arg14[%swap3A_279, %swap3A_280], %get3A_278 {add = true, strides = array<i32>} : memref<72x1024xf32, #tpu.memory_space<vmem>>, vector<16xf32>,
            %get3A_282 = arith.index_cast %scan3A_216 : i32 to index
            %get3A_283 = arith.constant 160 : index
            %get3A_284 = tpu.vector_load %arg12[%get3A_282, %get3A_283] {strides = array<i32>} : memref<48x1024xf32, #tpu.memory_space<vmem>>, vector<16xf32>,
            %swap3A_285 = arith.index_cast %squeeze3A_221 : i32 to index
            %swap3A_286 = arith.constant 160 : index
            %swap3A_287 = tpu.vector_load %arg14[%swap3A_285, %swap3A_286] {strides = array<i32>} : memref<72x1024xf32, #tpu.memory_space<vmem>>, vector<16xf32>,
            tpu.vector_store %arg14[%swap3A_285, %swap3A_286], %get3A_284 {add = true, strides = array<i32>} : memref<72x1024xf32, #tpu.memory_space<vmem>>, vector<16xf32>,
            %get3A_288 = arith.index_cast %scan3A_216 : i32 to index
            %get3A_289 = arith.constant 176 : index
            %get3A_290 = tpu.vector_load %arg12[%get3A_288, %get3A_289] {strides = array<i32>} : memref<48x1024xf32, #tpu.memory_space<vmem>>, vector<16xf32>,
            %swap3A_291 = arith.index_cast %squeeze3A_221 : i32 to index
            %swap3A_292 = arith.constant 176 : index
            %swap3A_293 = tpu.vector_load %arg14[%swap3A_291, %swap3A_292] {strides = array<i32>} : memref<72x1024xf32, #tpu.memory_space<vmem>>, vector<16xf32>,
            tpu.vector_store %arg14[%swap3A_291, %swap3A_292], %get3A_290 {add = true, strides = array<i32>} : memref<72x1024xf32, #tpu.memory_space<vmem>>, vector<16xf32>,
            %get3A_294 = arith.index_cast %scan3A_216 : i32 to index
            %get3A_295 = arith.constant 192 : index
            %get3A_296 = tpu.vector_load %arg12[%get3A_294, %get3A_295] {strides = array<i32>} : memref<48x1024xf32, #tpu.memory_space<vmem>>, vector<16xf32>,
            %swap3A_297 = arith.index_cast %squeeze3A_221 : i32 to index
            %swap3A_298 = arith.constant 192 : index
            %swap3A_299 = tpu.vector_load %arg14[%swap3A_297, %swap3A_298] {strides = array<i32>} : memref<72x1024xf32, #tpu.memory_space<vmem>>, vector<16xf32>,
            tpu.vector_store %arg14[%swap3A_297, %swap3A_298], %get3A_296 {add = true, strides = array<i32>} : memref<72x1024xf32, #tpu.memory_space<vmem>>, vector<16xf32>,
            %get3A_300 = arith.index_cast %scan3A_216 : i32 to index
            %get3A_301 = arith.constant 208 : index
            %get3A_302 = tpu.vector_load %arg12[%get3A_300, %get3A_301] {strides = array<i32>} : memref<48x1024xf32, #tpu.memory_space<vmem>>, vector<16xf32>,
            %swap3A_303 = arith.index_cast %squeeze3A_221 : i32 to index
            %swap3A_304 = arith.constant 208 : index
            %swap3A_305 = tpu.vector_load %arg14[%swap3A_303, %swap3A_304] {strides = array<i32>} : memref<72x1024xf32, #tpu.memory_space<vmem>>, vector<16xf32>,
            tpu.vector_store %arg14[%swap3A_303, %swap3A_304], %get3A_302 {add = true, strides = array<i32>} : memref<72x1024xf32, #tpu.memory_space<vmem>>, vector<16xf32>,
            %get3A_306 = arith.index_cast %scan3A_216 : i32 to index
            %get3A_307 = arith.constant 224 : index
            %get3A_308 = tpu.vector_load %arg12[%get3A_306, %get3A_307] {strides = array<i32>} : memref<48x1024xf32, #tpu.memory_space<vmem>>, vector<16xf32>,
            %swap3A_309 = arith.index_cast %squeeze3A_221 : i32 to index
            %swap3A_310 = arith.constant 224 : index
            %swap3A_311 = tpu.vector_load %arg14[%swap3A_309, %swap3A_310] {strides = array<i32>} : memref<72x1024xf32, #tpu.memory_space<vmem>>, vector<16xf32>,
            tpu.vector_store %arg14[%swap3A_309, %swap3A_310], %get3A_308 {add = true, strides = array<i32>} : memref<72x1024xf32, #tpu.memory_space<vmem>>, vector<16xf32>,
            %get3A_312 = arith.index_cast %scan3A_216 : i32 to index
            %get3A_313 = arith.constant 240 : index
            %get3A_314 = tpu.vector_load %arg12[%get3A_312, %get3A_313] {strides = array<i32>} : memref<48x1024xf32, #tpu.memory_space<vmem>>, vector<16xf32>,
            %swap3A_315 = arith.index_cast %squeeze3A_221 : i32 to index
            %swap3A_316 = arith.constant 240 : index
            %swap3A_317 = tpu.vector_load %arg14[%swap3A_315, %swap3A_316] {strides = array<i32>} : memref<72x1024xf32, #tpu.memory_space<vmem>>, vector<16xf32>,
            tpu.vector_store %arg14[%swap3A_315, %swap3A_316], %get3A_314 {add = true, strides = array<i32>} : memref<72x1024xf32, #tpu.memory_space<vmem>>, vector<16xf32>,
            %get3A_318 = arith.index_cast %scan3A_216 : i32 to index
            %get3A_319 = arith.constant 256 : index
            %get3A_320 = tpu.vector_load %arg12[%get3A_318, %get3A_319] {strides = array<i32>} : memref<48x1024xf32, #tpu.memory_space<vmem>>, vector<16xf32>,
            %swap3A_321 = arith.index_cast %squeeze3A_221 : i32 to index
            %swap3A_322 = arith.constant 256 : index
            %swap3A_323 = tpu.vector_load %arg14[%swap3A_321, %swap3A_322] {strides = array<i32>} : memref<72x1024xf32, #tpu.memory_space<vmem>>, vector<16xf32>,
            tpu.vector_store %arg14[%swap3A_321, %swap3A_322], %get3A_320 {add = true, strides = array<i32>} : memref<72x1024xf32, #tpu.memory_space<vmem>>, vector<16xf32>,
            %get3A_324 = arith.index_cast %scan3A_216 : i32 to index
            %get3A_325 = arith.constant 272 : index
            %get3A_326 = tpu.vector_load %arg12[%get3A_324, %get3A_325] {strides = array<i32>} : memref<48x1024xf32, #tpu.memory_space<vmem>>, vector<16xf32>,
            %swap3A_327 = arith.index_cast %squeeze3A_221 : i32 to index
            %swap3A_328 = arith.constant 272 : index
            %swap3A_329 = tpu.vector_load %arg14[%swap3A_327, %swap3A_328] {strides = array<i32>} : memref<72x1024xf32, #tpu.memory_space<vmem>>, vector<16xf32>,
            tpu.vector_store %arg14[%swap3A_327, %swap3A_328], %get3A_326 {add = true, strides = array<i32>} : memref<72x1024xf32, #tpu.memory_space<vmem>>, vector<16xf32>,
            %get3A_330 = arith.index_cast %scan3A_216 : i32 to index
            %get3A_331 = arith.constant 288 : index
            %get3A_332 = tpu.vector_load %arg12[%get3A_330, %get3A_331] {strides = array<i32>} : memref<48x1024xf32, #tpu.memory_space<vmem>>, vector<16xf32>,
            %swap3A_333 = arith.index_cast %squeeze3A_221 : i32 to index
            %swap3A_334 = arith.constant 288 : index
            %swap3A_335 = tpu.vector_load %arg14[%swap3A_333, %swap3A_334] {strides = array<i32>} : memref<72x1024xf32, #tpu.memory_space<vmem>>, vector<16xf32>,
            tpu.vector_store %arg14[%swap3A_333, %swap3A_334], %get3A_332 {add = true, strides = array<i32>} : memref<72x1024xf32, #tpu.memory_space<vmem>>, vector<16xf32>,
            %get3A_336 = arith.index_cast %scan3A_216 : i32 to index
            %get3A_337 = arith.constant 304 : index
            %get3A_338 = tpu.vector_load %arg12[%get3A_336, %get3A_337] {strides = array<i32>} : memref<48x1024xf32, #tpu.memory_space<vmem>>, vector<16xf32>,
            %swap3A_339 = arith.index_cast %squeeze3A_221 : i32 to index
            %swap3A_340 = arith.constant 304 : index
            %swap3A_341 = tpu.vector_load %arg14[%swap3A_339, %swap3A_340] {strides = array<i32>} : memref<72x1024xf32, #tpu.memory_space<vmem>>, vector<16xf32>,
            tpu.vector_store %arg14[%swap3A_339, %swap3A_340], %get3A_338 {add = true, strides = array<i32>} : memref<72x1024xf32, #tpu.memory_space<vmem>>, vector<16xf32>,
            %get3A_342 = arith.index_cast %scan3A_216 : i32 to index
            %get3A_343 = arith.constant 320 : index
            %get3A_344 = tpu.vector_load %arg12[%get3A_342, %get3A_343] {strides = array<i32>} : memref<48x1024xf32, #tpu.memory_space<vmem>>, vector<16xf32>,
            %swap3A_345 = arith.index_cast %squeeze3A_221 : i32 to index
            %swap3A_346 = arith.constant 320 : index
            %swap3A_347 = tpu.vector_load %arg14[%swap3A_345, %swap3A_346] {strides = array<i32>} : memref<72x1024xf32, #tpu.memory_space<vmem>>, vector<16xf32>,
            tpu.vector_store %arg14[%swap3A_345, %swap3A_346], %get3A_344 {add = true, strides = array<i32>} : memref<72x1024xf32, #tpu.memory_space<vmem>>, vector<16xf32>,
            %get3A_348 = arith.index_cast %scan3A_216 : i32 to index
            %get3A_349 = arith.constant 336 : index
            %get3A_350 = tpu.vector_load %arg12[%get3A_348, %get3A_349] {strides = array<i32>} : memref<48x1024xf32, #tpu.memory_space<vmem>>, vector<16xf32>,
            %swap3A_351 = arith.index_cast %squeeze3A_221 : i32 to index
            %swap3A_352 = arith.constant 336 : index
            %swap3A_353 = tpu.vector_load %arg14[%swap3A_351, %swap3A_352] {strides = array<i32>} : memref<72x1024xf32, #tpu.memory_space<vmem>>, vector<16xf32>,
            tpu.vector_store %arg14[%swap3A_351, %swap3A_352], %get3A_350 {add = true, strides = array<i32>} : memref<72x1024xf32, #tpu.memory_space<vmem>>, vector<16xf32>,
            %get3A_354 = arith.index_cast %scan3A_216 : i32 to index
            %get3A_355 = arith.constant 352 : index
            %get3A_356 = tpu.vector_load %arg12[%get3A_354, %get3A_355] {strides = array<i32>} : memref<48x1024xf32, #tpu.memory_space<vmem>>, vector<16xf32>,
            %swap3A_357 = arith.index_cast %squeeze3A_221 : i32 to index
            %swap3A_358 = arith.constant 352 : index
            %swap3A_359 = tpu.vector_load %arg14[%swap3A_357, %swap3A_358] {strides = array<i32>} : memref<72x1024xf32, #tpu.memory_space<vmem>>, vector<16xf32>,
            tpu.vector_store %arg14[%swap3A_357, %swap3A_358], %get3A_356 {add = true, strides = array<i32>} : memref<72x1024xf32, #tpu.memory_space<vmem>>, vector<16xf32>,
            %get3A_360 = arith.index_cast %scan3A_216 : i32 to index
            %get3A_361 = arith.constant 368 : index
            %get3A_362 = tpu.vector_load %arg12[%get3A_360, %get3A_361] {strides = array<i32>} : memref<48x1024xf32, #tpu.memory_space<vmem>>, vector<16xf32>,
            %swap3A_363 = arith.index_cast %squeeze3A_221 : i32 to index
            %swap3A_364 = arith.constant 368 : index
            %swap3A_365 = tpu.vector_load %arg14[%swap3A_363, %swap3A_364] {strides = array<i32>} : memref<72x1024xf32, #tpu.memory_space<vmem>>, vector<16xf32>,
            tpu.vector_store %arg14[%swap3A_363, %swap3A_364], %get3A_362 {add = true, strides = array<i32>} : memref<72x1024xf32, #tpu.memory_space<vmem>>, vector<16xf32>,
            %get3A_366 = arith.index_cast %scan3A_216 : i32 to index
            %get3A_367 = arith.constant 384 : index
            %get3A_368 = tpu.vector_load %arg12[%get3A_366, %get3A_367] {strides = array<i32>} : memref<48x1024xf32, #tpu.memory_space<vmem>>, vector<16xf32>,
            %swap3A_369 = arith.index_cast %squeeze3A_221 : i32 to index
            %swap3A_370 = arith.constant 384 : index
            %swap3A_371 = tpu.vector_load %arg14[%swap3A_369, %swap3A_370] {strides = array<i32>} : memref<72x1024xf32, #tpu.memory_space<vmem>>, vector<16xf32>,
            tpu.vector_store %arg14[%swap3A_369, %swap3A_370], %get3A_368 {add = true, strides = array<i32>} : memref<72x1024xf32, #tpu.memory_space<vmem>>, vector<16xf32>,
            %get3A_372 = arith.index_cast %scan3A_216 : i32 to index
            %get3A_373 = arith.constant 400 : index
            %get3A_374 = tpu.vector_load %arg12[%get3A_372, %get3A_373] {strides = array<i32>} : memref<48x1024xf32, #tpu.memory_space<vmem>>, vector<16xf32>,
            %swap3A_375 = arith.index_cast %squeeze3A_221 : i32 to index
            %swap3A_376 = arith.constant 400 : index
            %swap3A_377 = tpu.vector_load %arg14[%swap3A_375, %swap3A_376] {strides = array<i32>} : memref<72x1024xf32, #tpu.memory_space<vmem>>, vector<16xf32>,
            tpu.vector_store %arg14[%swap3A_375, %swap3A_376], %get3A_374 {add = true, strides = array<i32>} : memref<72x1024xf32, #tpu.memory_space<vmem>>, vector<16xf32>,
            %get3A_378 = arith.index_cast %scan3A_216 : i32 to index
            %get3A_379 = arith.constant 416 : index
            %get3A_380 = tpu.vector_load %arg12[%get3A_378, %get3A_379] {strides = array<i32>} : memref<48x1024xf32, #tpu.memory_space<vmem>>, vector<16xf32>,
            %swap3A_381 = arith.index_cast %squeeze3A_221 : i32 to index
            %swap3A_382 = arith.constant 416 : index
            %swap3A_383 = tpu.vector_load %arg14[%swap3A_381, %swap3A_382] {strides = array<i32>} : memref<72x1024xf32, #tpu.memory_space<vmem>>, vector<16xf32>,
            tpu.vector_store %arg14[%swap3A_381, %swap3A_382], %get3A_380 {add = true, strides = array<i32>} : memref<72x1024xf32, #tpu.memory_space<vmem>>, vector<16xf32>,
            %get3A_384 = arith.index_cast %scan3A_216 : i32 to index
            %get3A_385 = arith.constant 432 : index
            %get3A_386 = tpu.vector_load %arg12[%get3A_384, %get3A_385] {strides = array<i32>} : memref<48x1024xf32, #tpu.memory_space<vmem>>, vector<16xf32>,
            %swap3A_387 = arith.index_cast %squeeze3A_221 : i32 to index
            %swap3A_388 = arith.constant 432 : index
            %swap3A_389 = tpu.vector_load %arg14[%swap3A_387, %swap3A_388] {strides = array<i32>} : memref<72x1024xf32, #tpu.memory_space<vmem>>, vector<16xf32>,
            tpu.vector_store %arg14[%swap3A_387, %swap3A_388], %get3A_386 {add = true, strides = array<i32>} : memref<72x1024xf32, #tpu.memory_space<vmem>>, vector<16xf32>,
            %get3A_390 = arith.index_cast %scan3A_216 : i32 to index
            %get3A_391 = arith.constant 448 : index
            %get3A_392 = tpu.vector_load %arg12[%get3A_390, %get3A_391] {strides = array<i32>} : memref<48x1024xf32, #tpu.memory_space<vmem>>, vector<16xf32>,
            %swap3A_393 = arith.index_cast %squeeze3A_221 : i32 to index
            %swap3A_394 = arith.constant 448 : index
            %swap3A_395 = tpu.vector_load %arg14[%swap3A_393, %swap3A_394] {strides = array<i32>} : memref<72x1024xf32, #tpu.memory_space<vmem>>, vector<16xf32>,
            tpu.vector_store %arg14[%swap3A_393, %swap3A_394], %get3A_392 {add = true, strides = array<i32>} : memref<72x1024xf32, #tpu.memory_space<vmem>>, vector<16xf32>,
            %get3A_396 = arith.index_cast %scan3A_216 : i32 to index
            %get3A_397 = arith.constant 464 : index
            %get3A_398 = tpu.vector_load %arg12[%get3A_396, %get3A_397] {strides = array<i32>} : memref<48x1024xf32, #tpu.memory_space<vmem>>, vector<16xf32>,
            %swap3A_399 = arith.index_cast %squeeze3A_221 : i32 to index
            %swap3A_400 = arith.constant 464 : index
            %swap3A_401 = tpu.vector_load %arg14[%swap3A_399, %swap3A_400] {strides = array<i32>} : memref<72x1024xf32, #tpu.memory_space<vmem>>, vector<16xf32>,
            tpu.vector_store %arg14[%swap3A_399, %swap3A_400], %get3A_398 {add = true, strides = array<i32>} : memref<72x1024xf32, #tpu.memory_space<vmem>>, vector<16xf32>,
            %get3A_402 = arith.index_cast %scan3A_216 : i32 to index
            %get3A_403 = arith.constant 480 : index
            %get3A_404 = tpu.vector_load %arg12[%get3A_402, %get3A_403] {strides = array<i32>} : memref<48x1024xf32, #tpu.memory_space<vmem>>, vector<16xf32>,
            %swap3A_405 = arith.index_cast %squeeze3A_221 : i32 to index
            %swap3A_406 = arith.constant 480 : index
            %swap3A_407 = tpu.vector_load %arg14[%swap3A_405, %swap3A_406] {strides = array<i32>} : memref<72x1024xf32, #tpu.memory_space<vmem>>, vector<16xf32>,
            tpu.vector_store %arg14[%swap3A_405, %swap3A_406], %get3A_404 {add = true, strides = array<i32>} : memref<72x1024xf32, #tpu.memory_space<vmem>>, vector<16xf32>,
            %get3A_408 = arith.index_cast %scan3A_216 : i32 to index
            %get3A_409 = arith.constant 496 : index
            %get3A_410 = tpu.vector_load %arg12[%get3A_408, %get3A_409] {strides = array<i32>} : memref<48x1024xf32, #tpu.memory_space<vmem>>, vector<16xf32>,
            %swap3A_411 = arith.index_cast %squeeze3A_221 : i32 to index
            %swap3A_412 = arith.constant 496 : index
            %swap3A_413 = tpu.vector_load %arg14[%swap3A_411, %swap3A_412] {strides = array<i32>} : memref<72x1024xf32, #tpu.memory_space<vmem>>, vector<16xf32>,
            tpu.vector_store %arg14[%swap3A_411, %swap3A_412], %get3A_410 {add = true, strides = array<i32>} : memref<72x1024xf32, #tpu.memory_space<vmem>>, vector<16xf32>,
            %get3A_414 = arith.index_cast %scan3A_216 : i32 to index
            %get3A_415 = arith.constant 512 : index
            %get3A_416 = tpu.vector_load %arg12[%get3A_414, %get3A_415] {strides = array<i32>} : memref<48x1024xf32, #tpu.memory_space<vmem>>, vector<16xf32>,
            %swap3A_417 = arith.index_cast %squeeze3A_221 : i32 to index
            %swap3A_418 = arith.constant 512 : index
            %swap3A_419 = tpu.vector_load %arg14[%swap3A_417, %swap3A_418] {strides = array<i32>} : memref<72x1024xf32, #tpu.memory_space<vmem>>, vector<16xf32>,
            tpu.vector_store %arg14[%swap3A_417, %swap3A_418], %get3A_416 {add = true, strides = array<i32>} : memref<72x1024xf32, #tpu.memory_space<vmem>>, vector<16xf32>,
            %get3A_420 = arith.index_cast %scan3A_216 : i32 to index
            %get3A_421 = arith.constant 528 : index
            %get3A_422 = tpu.vector_load %arg12[%get3A_420, %get3A_421] {strides = array<i32>} : memref<48x1024xf32, #tpu.memory_space<vmem>>, vector<16xf32>,
            %swap3A_423 = arith.index_cast %squeeze3A_221 : i32 to index
            %swap3A_424 = arith.constant 528 : index
            %swap3A_425 = tpu.vector_load %arg14[%swap3A_423, %swap3A_424] {strides = array<i32>} : memref<72x1024xf32, #tpu.memory_space<vmem>>, vector<16xf32>,
            tpu.vector_store %arg14[%swap3A_423, %swap3A_424], %get3A_422 {add = true, strides = array<i32>} : memref<72x1024xf32, #tpu.memory_space<vmem>>, vector<16xf32>,
            %get3A_426 = arith.index_cast %scan3A_216 : i32 to index
            %get3A_427 = arith.constant 544 : index
            %get3A_428 = tpu.vector_load %arg12[%get3A_426, %get3A_427] {strides = array<i32>} : memref<48x1024xf32, #tpu.memory_space<vmem>>, vector<16xf32>,
            %swap3A_429 = arith.index_cast %squeeze3A_221 : i32 to index
            %swap3A_430 = arith.constant 544 : index
            %swap3A_431 = tpu.vector_load %arg14[%swap3A_429, %swap3A_430] {strides = array<i32>} : memref<72x1024xf32, #tpu.memory_space<vmem>>, vector<16xf32>,
            tpu.vector_store %arg14[%swap3A_429, %swap3A_430], %get3A_428 {add = true, strides = array<i32>} : memref<72x1024xf32, #tpu.memory_space<vmem>>, vector<16xf32>,
            %get3A_432 = arith.index_cast %scan3A_216 : i32 to index
            %get3A_433 = arith.constant 560 : index
            %get3A_434 = tpu.vector_load %arg12[%get3A_432, %get3A_433] {strides = array<i32>} : memref<48x1024xf32, #tpu.memory_space<vmem>>, vector<16xf32>,
            %swap3A_435 = arith.index_cast %squeeze3A_221 : i32 to index
            %swap3A_436 = arith.constant 560 : index
            %swap3A_437 = tpu.vector_load %arg14[%swap3A_435, %swap3A_436] {strides = array<i32>} : memref<72x1024xf32, #tpu.memory_space<vmem>>, vector<16xf32>,
            tpu.vector_store %arg14[%swap3A_435, %swap3A_436], %get3A_434 {add = true, strides = array<i32>} : memref<72x1024xf32, #tpu.memory_space<vmem>>, vector<16xf32>,
            %get3A_438 = arith.index_cast %scan3A_216 : i32 to index
            %get3A_439 = arith.constant 576 : index
            %get3A_440 = tpu.vector_load %arg12[%get3A_438, %get3A_439] {strides = array<i32>} : memref<48x1024xf32, #tpu.memory_space<vmem>>, vector<16xf32>,
            %swap3A_441 = arith.index_cast %squeeze3A_221 : i32 to index
            %swap3A_442 = arith.constant 576 : index
            %swap3A_443 = tpu.vector_load %arg14[%swap3A_441, %swap3A_442] {strides = array<i32>} : memref<72x1024xf32, #tpu.memory_space<vmem>>, vector<16xf32>,
            tpu.vector_store %arg14[%swap3A_441, %swap3A_442], %get3A_440 {add = true, strides = array<i32>} : memref<72x1024xf32, #tpu.memory_space<vmem>>, vector<16xf32>,
            %get3A_444 = arith.index_cast %scan3A_216 : i32 to index
            %get3A_445 = arith.constant 592 : index
            %get3A_446 = tpu.vector_load %arg12[%get3A_444, %get3A_445] {strides = array<i32>} : memref<48x1024xf32, #tpu.memory_space<vmem>>, vector<16xf32>,
            %swap3A_447 = arith.index_cast %squeeze3A_221 : i32 to index
            %swap3A_448 = arith.constant 592 : index
            %swap3A_449 = tpu.vector_load %arg14[%swap3A_447, %swap3A_448] {strides = array<i32>} : memref<72x1024xf32, #tpu.memory_space<vmem>>, vector<16xf32>,
            tpu.vector_store %arg14[%swap3A_447, %swap3A_448], %get3A_446 {add = true, strides = array<i32>} : memref<72x1024xf32, #tpu.memory_space<vmem>>, vector<16xf32>,
            %get3A_450 = arith.index_cast %scan3A_216 : i32 to index
            %get3A_451 = arith.constant 608 : index
            %get3A_452 = tpu.vector_load %arg12[%get3A_450, %get3A_451] {strides = array<i32>} : memref<48x1024xf32, #tpu.memory_space<vmem>>, vector<16xf32>,
            %swap3A_453 = arith.index_cast %squeeze3A_221 : i32 to index
            %swap3A_454 = arith.constant 608 : index
            %swap3A_455 = tpu.vector_load %arg14[%swap3A_453, %swap3A_454] {strides = array<i32>} : memref<72x1024xf32, #tpu.memory_space<vmem>>, vector<16xf32>,
            tpu.vector_store %arg14[%swap3A_453, %swap3A_454], %get3A_452 {add = true, strides = array<i32>} : memref<72x1024xf32, #tpu.memory_space<vmem>>, vector<16xf32>,
            %get3A_456 = arith.index_cast %scan3A_216 : i32 to index
            %get3A_457 = arith.constant 624 : index
            %get3A_458 = tpu.vector_load %arg12[%get3A_456, %get3A_457] {strides = array<i32>} : memref<48x1024xf32, #tpu.memory_space<vmem>>, vector<16xf32>,
            %swap3A_459 = arith.index_cast %squeeze3A_221 : i32 to index
            %swap3A_460 = arith.constant 624 : index
            %swap3A_461 = tpu.vector_load %arg14[%swap3A_459, %swap3A_460] {strides = array<i32>} : memref<72x1024xf32, #tpu.memory_space<vmem>>, vector<16xf32>,
            tpu.vector_store %arg14[%swap3A_459, %swap3A_460], %get3A_458 {add = true, strides = array<i32>} : memref<72x1024xf32, #tpu.memory_space<vmem>>, vector<16xf32>,
            %get3A_462 = arith.index_cast %scan3A_216 : i32 to index
            %get3A_463 = arith.constant 640 : index
            %get3A_464 = tpu.vector_load %arg12[%get3A_462, %get3A_463] {strides = array<i32>} : memref<48x1024xf32, #tpu.memory_space<vmem>>, vector<16xf32>,
            %swap3A_465 = arith.index_cast %squeeze3A_221 : i32 to index
            %swap3A_466 = arith.constant 640 : index
            %swap3A_467 = tpu.vector_load %arg14[%swap3A_465, %swap3A_466] {strides = array<i32>} : memref<72x1024xf32, #tpu.memory_space<vmem>>, vector<16xf32>,
            tpu.vector_store %arg14[%swap3A_465, %swap3A_466], %get3A_464 {add = true, strides = array<i32>} : memref<72x1024xf32, #tpu.memory_space<vmem>>, vector<16xf32>,
            %get3A_468 = arith.index_cast %scan3A_216 : i32 to index
            %get3A_469 = arith.constant 656 : index
            %get3A_470 = tpu.vector_load %arg12[%get3A_468, %get3A_469] {strides = array<i32>} : memref<48x1024xf32, #tpu.memory_space<vmem>>, vector<16xf32>,
            %swap3A_471 = arith.index_cast %squeeze3A_221 : i32 to index
            %swap3A_472 = arith.constant 656 : index
            %swap3A_473 = tpu.vector_load %arg14[%swap3A_471, %swap3A_472] {strides = array<i32>} : memref<72x1024xf32, #tpu.memory_space<vmem>>, vector<16xf32>,
            tpu.vector_store %arg14[%swap3A_471, %swap3A_472], %get3A_470 {add = true, strides = array<i32>} : memref<72x1024xf32, #tpu.memory_space<vmem>>, vector<16xf32>,
            %get3A_474 = arith.index_cast %scan3A_216 : i32 to index
            %get3A_475 = arith.constant 672 : index
            %get3A_476 = tpu.vector_load %arg12[%get3A_474, %get3A_475] {strides = array<i32>} : memref<48x1024xf32, #tpu.memory_space<vmem>>, vector<16xf32>,
            %swap3A_477 = arith.index_cast %squeeze3A_221 : i32 to index
            %swap3A_478 = arith.constant 672 : index
            %swap3A_479 = tpu.vector_load %arg14[%swap3A_477, %swap3A_478] {strides = array<i32>} : memref<72x1024xf32, #tpu.memory_space<vmem>>, vector<16xf32>,
            tpu.vector_store %arg14[%swap3A_477, %swap3A_478], %get3A_476 {add = true, strides = array<i32>} : memref<72x1024xf32, #tpu.memory_space<vmem>>, vector<16xf32>,
            %get3A_480 = arith.index_cast %scan3A_216 : i32 to index
            %get3A_481 = arith.constant 688 : index
            %get3A_482 = tpu.vector_load %arg12[%get3A_480, %get3A_481] {strides = array<i32>} : memref<48x1024xf32, #tpu.memory_space<vmem>>, vector<16xf32>,
            %swap3A_483 = arith.index_cast %squeeze3A_221 : i32 to index
            %swap3A_484 = arith.constant 688 : index
            %swap3A_485 = tpu.vector_load %arg14[%swap3A_483, %swap3A_484] {strides = array<i32>} : memref<72x1024xf32, #tpu.memory_space<vmem>>, vector<16xf32>,
            tpu.vector_store %arg14[%swap3A_483, %swap3A_484], %get3A_482 {add = true, strides = array<i32>} : memref<72x1024xf32, #tpu.memory_space<vmem>>, vector<16xf32>,
            %get3A_486 = arith.index_cast %scan3A_216 : i32 to index
            %get3A_487 = arith.constant 704 : index
            %get3A_488 = tpu.vector_load %arg12[%get3A_486, %get3A_487] {strides = array<i32>} : memref<48x1024xf32, #tpu.memory_space<vmem>>, vector<16xf32>,
            %swap3A_489 = arith.index_cast %squeeze3A_221 : i32 to index
            %swap3A_490 = arith.constant 704 : index
            %swap3A_491 = tpu.vector_load %arg14[%swap3A_489, %swap3A_490] {strides = array<i32>} : memref<72x1024xf32, #tpu.memory_space<vmem>>, vector<16xf32>,
            tpu.vector_store %arg14[%swap3A_489, %swap3A_490], %get3A_488 {add = true, strides = array<i32>} : memref<72x1024xf32, #tpu.memory_space<vmem>>, vector<16xf32>,
            %get3A_492 = arith.index_cast %scan3A_216 : i32 to index
            %get3A_493 = arith.constant 720 : index
            %get3A_494 = tpu.vector_load %arg12[%get3A_492, %get3A_493] {strides = array<i32>} : memref<48x1024xf32, #tpu.memory_space<vmem>>, vector<16xf32>,
            %swap3A_495 = arith.index_cast %squeeze3A_221 : i32 to index
            %swap3A_496 = arith.constant 720 : index
            %swap3A_497 = tpu.vector_load %arg14[%swap3A_495, %swap3A_496] {strides = array<i32>} : memref<72x1024xf32, #tpu.memory_space<vmem>>, vector<16xf32>,
            tpu.vector_store %arg14[%swap3A_495, %swap3A_496], %get3A_494 {add = true, strides = array<i32>} : memref<72x1024xf32, #tpu.memory_space<vmem>>, vector<16xf32>,
            %get3A_498 = arith.index_cast %scan3A_216 : i32 to index
            %get3A_499 = arith.constant 736 : index
            %get3A_500 = tpu.vector_load %arg12[%get3A_498, %get3A_499] {strides = array<i32>} : memref<48x1024xf32, #tpu.memory_space<vmem>>, vector<16xf32>,
            %swap3A_501 = arith.index_cast %squeeze3A_221 : i32 to index
            %swap3A_502 = arith.constant 736 : index
            %swap3A_503 = tpu.vector_load %arg14[%swap3A_501, %swap3A_502] {strides = array<i32>} : memref<72x1024xf32, #tpu.memory_space<vmem>>, vector<16xf32>,
            tpu.vector_store %arg14[%swap3A_501, %swap3A_502], %get3A_500 {add = true, strides = array<i32>} : memref<72x1024xf32, #tpu.memory_space<vmem>>, vector<16xf32>,
            %get3A_504 = arith.index_cast %scan3A_216 : i32 to index
            %get3A_505 = arith.constant 752 : index
            %get3A_506 = tpu.vector_load %arg12[%get3A_504, %get3A_505] {strides = array<i32>} : memref<48x1024xf32, #tpu.memory_space<vmem>>, vector<16xf32>,
            %swap3A_507 = arith.index_cast %squeeze3A_221 : i32 to index
            %swap3A_508 = arith.constant 752 : index
            %swap3A_509 = tpu.vector_load %arg14[%swap3A_507, %swap3A_508] {strides = array<i32>} : memref<72x1024xf32, #tpu.memory_space<vmem>>, vector<16xf32>,
            tpu.vector_store %arg14[%swap3A_507, %swap3A_508], %get3A_506 {add = true, strides = array<i32>} : memref<72x1024xf32, #tpu.memory_space<vmem>>, vector<16xf32>,
            %get3A_510 = arith.index_cast %scan3A_216 : i32 to index
            %get3A_511 = arith.constant 768 : index
            %get3A_512 = tpu.vector_load %arg12[%get3A_510, %get3A_511] {strides = array<i32>} : memref<48x1024xf32, #tpu.memory_space<vmem>>, vector<16xf32>,
            %swap3A_513 = arith.index_cast %squeeze3A_221 : i32 to index
            %swap3A_514 = arith.constant 768 : index
            %swap3A_515 = tpu.vector_load %arg14[%swap3A_513, %swap3A_514] {strides = array<i32>} : memref<72x1024xf32, #tpu.memory_space<vmem>>, vector<16xf32>,
            tpu.vector_store %arg14[%swap3A_513, %swap3A_514], %get3A_512 {add = true, strides = array<i32>} : memref<72x1024xf32, #tpu.memory_space<vmem>>, vector<16xf32>,
            %get3A_516 = arith.index_cast %scan3A_216 : i32 to index
            %get3A_517 = arith.constant 784 : index
            %get3A_518 = tpu.vector_load %arg12[%get3A_516, %get3A_517] {strides = array<i32>} : memref<48x1024xf32, #tpu.memory_space<vmem>>, vector<16xf32>,
            %swap3A_519 = arith.index_cast %squeeze3A_221 : i32 to index
            %swap3A_520 = arith.constant 784 : index
            %swap3A_521 = tpu.vector_load %arg14[%swap3A_519, %swap3A_520] {strides = array<i32>} : memref<72x1024xf32, #tpu.memory_space<vmem>>, vector<16xf32>,
            tpu.vector_store %arg14[%swap3A_519, %swap3A_520], %get3A_518 {add = true, strides = array<i32>} : memref<72x1024xf32, #tpu.memory_space<vmem>>, vector<16xf32>,
            %get3A_522 = arith.index_cast %scan3A_216 : i32 to index
            %get3A_523 = arith.constant 800 : index
            %get3A_524 = tpu.vector_load %arg12[%get3A_522, %get3A_523] {strides = array<i32>} : memref<48x1024xf32, #tpu.memory_space<vmem>>, vector<16xf32>,
            %swap3A_525 = arith.index_cast %squeeze3A_221 : i32 to index
            %swap3A_526 = arith.constant 800 : index
            %swap3A_527 = tpu.vector_load %arg14[%swap3A_525, %swap3A_526] {strides = array<i32>} : memref<72x1024xf32, #tpu.memory_space<vmem>>, vector<16xf32>,
            tpu.vector_store %arg14[%swap3A_525, %swap3A_526], %get3A_524 {add = true, strides = array<i32>} : memref<72x1024xf32, #tpu.memory_space<vmem>>, vector<16xf32>,
            %get3A_528 = arith.index_cast %scan3A_216 : i32 to index
            %get3A_529 = arith.constant 816 : index
            %get3A_530 = tpu.vector_load %arg12[%get3A_528, %get3A_529] {strides = array<i32>} : memref<48x1024xf32, #tpu.memory_space<vmem>>, vector<16xf32>,
            %swap3A_531 = arith.index_cast %squeeze3A_221 : i32 to index
            %swap3A_532 = arith.constant 816 : index
            %swap3A_533 = tpu.vector_load %arg14[%swap3A_531, %swap3A_532] {strides = array<i32>} : memref<72x1024xf32, #tpu.memory_space<vmem>>, vector<16xf32>,
            tpu.vector_store %arg14[%swap3A_531, %swap3A_532], %get3A_530 {add = true, strides = array<i32>} : memref<72x1024xf32, #tpu.memory_space<vmem>>, vector<16xf32>,
            %get3A_534 = arith.index_cast %scan3A_216 : i32 to index
            %get3A_535 = arith.constant 832 : index
            %get3A_536 = tpu.vector_load %arg12[%get3A_534, %get3A_535] {strides = array<i32>} : memref<48x1024xf32, #tpu.memory_space<vmem>>, vector<16xf32>,
            %swap3A_537 = arith.index_cast %squeeze3A_221 : i32 to index
            %swap3A_538 = arith.constant 832 : index
            %swap3A_539 = tpu.vector_load %arg14[%swap3A_537, %swap3A_538] {strides = array<i32>} : memref<72x1024xf32, #tpu.memory_space<vmem>>, vector<16xf32>,
            tpu.vector_store %arg14[%swap3A_537, %swap3A_538], %get3A_536 {add = true, strides = array<i32>} : memref<72x1024xf32, #tpu.memory_space<vmem>>, vector<16xf32>,
            %get3A_540 = arith.index_cast %scan3A_216 : i32 to index
            %get3A_541 = arith.constant 848 : index
            %get3A_542 = tpu.vector_load %arg12[%get3A_540, %get3A_541] {strides = array<i32>} : memref<48x1024xf32, #tpu.memory_space<vmem>>, vector<16xf32>,
            %swap3A_543 = arith.index_cast %squeeze3A_221 : i32 to index
            %swap3A_544 = arith.constant 848 : index
            %swap3A_545 = tpu.vector_load %arg14[%swap3A_543, %swap3A_544] {strides = array<i32>} : memref<72x1024xf32, #tpu.memory_space<vmem>>, vector<16xf32>,
            tpu.vector_store %arg14[%swap3A_543, %swap3A_544], %get3A_542 {add = true, strides = array<i32>} : memref<72x1024xf32, #tpu.memory_space<vmem>>, vector<16xf32>,
            %get3A_546 = arith.index_cast %scan3A_216 : i32 to index
            %get3A_547 = arith.constant 864 : index
            %get3A_548 = tpu.vector_load %arg12[%get3A_546, %get3A_547] {strides = array<i32>} : memref<48x1024xf32, #tpu.memory_space<vmem>>, vector<16xf32>,
            %swap3A_549 = arith.index_cast %squeeze3A_221 : i32 to index
            %swap3A_550 = arith.constant 864 : index
            %swap3A_551 = tpu.vector_load %arg14[%swap3A_549, %swap3A_550] {strides = array<i32>} : memref<72x1024xf32, #tpu.memory_space<vmem>>, vector<16xf32>,
            tpu.vector_store %arg14[%swap3A_549, %swap3A_550], %get3A_548 {add = true, strides = array<i32>} : memref<72x1024xf32, #tpu.memory_space<vmem>>, vector<16xf32>,
            %get3A_552 = arith.index_cast %scan3A_216 : i32 to index
            %get3A_553 = arith.constant 880 : index
            %get3A_554 = tpu.vector_load %arg12[%get3A_552, %get3A_553] {strides = array<i32>} : memref<48x1024xf32, #tpu.memory_space<vmem>>, vector<16xf32>,
            %swap3A_555 = arith.index_cast %squeeze3A_221 : i32 to index
            %swap3A_556 = arith.constant 880 : index
            %swap3A_557 = tpu.vector_load %arg14[%swap3A_555, %swap3A_556] {strides = array<i32>} : memref<72x1024xf32, #tpu.memory_space<vmem>>, vector<16xf32>,
            tpu.vector_store %arg14[%swap3A_555, %swap3A_556], %get3A_554 {add = true, strides = array<i32>} : memref<72x1024xf32, #tpu.memory_space<vmem>>, vector<16xf32>,
            %get3A_558 = arith.index_cast %scan3A_216 : i32 to index
            %get3A_559 = arith.constant 896 : index
            %get3A_560 = tpu.vector_load %arg12[%get3A_558, %get3A_559] {strides = array<i32>} : memref<48x1024xf32, #tpu.memory_space<vmem>>, vector<16xf32>,
            %swap3A_561 = arith.index_cast %squeeze3A_221 : i32 to index
            %swap3A_562 = arith.constant 896 : index
            %swap3A_563 = tpu.vector_load %arg14[%swap3A_561, %swap3A_562] {strides = array<i32>} : memref<72x1024xf32, #tpu.memory_space<vmem>>, vector<16xf32>,
            tpu.vector_store %arg14[%swap3A_561, %swap3A_562], %get3A_560 {add = true, strides = array<i32>} : memref<72x1024xf32, #tpu.memory_space<vmem>>, vector<16xf32>,
            %get3A_564 = arith.index_cast %scan3A_216 : i32 to index
            %get3A_565 = arith.constant 912 : index
            %get3A_566 = tpu.vector_load %arg12[%get3A_564, %get3A_565] {strides = array<i32>} : memref<48x1024xf32, #tpu.memory_space<vmem>>, vector<16xf32>,
            %swap3A_567 = arith.index_cast %squeeze3A_221 : i32 to index
            %swap3A_568 = arith.constant 912 : index
            %swap3A_569 = tpu.vector_load %arg14[%swap3A_567, %swap3A_568] {strides = array<i32>} : memref<72x1024xf32, #tpu.memory_space<vmem>>, vector<16xf32>,
            tpu.vector_store %arg14[%swap3A_567, %swap3A_568], %get3A_566 {add = true, strides = array<i32>} : memref<72x1024xf32, #tpu.memory_space<vmem>>, vector<16xf32>,
            %get3A_570 = arith.index_cast %scan3A_216 : i32 to index
            %get3A_571 = arith.constant 928 : index
            %get3A_572 = tpu.vector_load %arg12[%get3A_570, %get3A_571] {strides = array<i32>} : memref<48x1024xf32, #tpu.memory_space<vmem>>, vector<16xf32>,
            %swap3A_573 = arith.index_cast %squeeze3A_221 : i32 to index
            %swap3A_574 = arith.constant 928 : index
            %swap3A_575 = tpu.vector_load %arg14[%swap3A_573, %swap3A_574] {strides = array<i32>} : memref<72x1024xf32, #tpu.memory_space<vmem>>, vector<16xf32>,
            tpu.vector_store %arg14[%swap3A_573, %swap3A_574], %get3A_572 {add = true, strides = array<i32>} : memref<72x1024xf32, #tpu.memory_space<vmem>>, vector<16xf32>,
            %get3A_576 = arith.index_cast %scan3A_216 : i32 to index
            %get3A_577 = arith.constant 944 : index
            %get3A_578 = tpu.vector_load %arg12[%get3A_576, %get3A_577] {strides = array<i32>} : memref<48x1024xf32, #tpu.memory_space<vmem>>, vector<16xf32>,
            %swap3A_579 = arith.index_cast %squeeze3A_221 : i32 to index
            %swap3A_580 = arith.constant 944 : index
            %swap3A_581 = tpu.vector_load %arg14[%swap3A_579, %swap3A_580] {strides = array<i32>} : memref<72x1024xf32, #tpu.memory_space<vmem>>, vector<16xf32>,
            tpu.vector_store %arg14[%swap3A_579, %swap3A_580], %get3A_578 {add = true, strides = array<i32>} : memref<72x1024xf32, #tpu.memory_space<vmem>>, vector<16xf32>,
            %get3A_582 = arith.index_cast %scan3A_216 : i32 to index
            %get3A_583 = arith.constant 960 : index
            %get3A_584 = tpu.vector_load %arg12[%get3A_582, %get3A_583] {strides = array<i32>} : memref<48x1024xf32, #tpu.memory_space<vmem>>, vector<16xf32>,
            %swap3A_585 = arith.index_cast %squeeze3A_221 : i32 to index
            %swap3A_586 = arith.constant 960 : index
            %swap3A_587 = tpu.vector_load %arg14[%swap3A_585, %swap3A_586] {strides = array<i32>} : memref<72x1024xf32, #tpu.memory_space<vmem>>, vector<16xf32>,
            tpu.vector_store %arg14[%swap3A_585, %swap3A_586], %get3A_584 {add = true, strides = array<i32>} : memref<72x1024xf32, #tpu.memory_space<vmem>>, vector<16xf32>,
            %get3A_588 = arith.index_cast %scan3A_216 : i32 to index
            %get3A_589 = arith.constant 976 : index
            %get3A_590 = tpu.vector_load %arg12[%get3A_588, %get3A_589] {strides = array<i32>} : memref<48x1024xf32, #tpu.memory_space<vmem>>, vector<16xf32>,
            %swap3A_591 = arith.index_cast %squeeze3A_221 : i32 to index
            %swap3A_592 = arith.constant 976 : index
            %swap3A_593 = tpu.vector_load %arg14[%swap3A_591, %swap3A_592] {strides = array<i32>} : memref<72x1024xf32, #tpu.memory_space<vmem>>, vector<16xf32>,
            tpu.vector_store %arg14[%swap3A_591, %swap3A_592], %get3A_590 {add = true, strides = array<i32>} : memref<72x1024xf32, #tpu.memory_space<vmem>>, vector<16xf32>,
            %get3A_594 = arith.index_cast %scan3A_216 : i32 to index
            %get3A_595 = arith.constant 992 : index
            %get3A_596 = tpu.vector_load %arg12[%get3A_594, %get3A_595] {strides = array<i32>} : memref<48x1024xf32, #tpu.memory_space<vmem>>, vector<16xf32>,
            %swap3A_597 = arith.index_cast %squeeze3A_221 : i32 to index
            %swap3A_598 = arith.constant 992 : index
            %swap3A_599 = tpu.vector_load %arg14[%swap3A_597, %swap3A_598] {strides = array<i32>} : memref<72x1024xf32, #tpu.memory_space<vmem>>, vector<16xf32>,
            tpu.vector_store %arg14[%swap3A_597, %swap3A_598], %get3A_596 {add = true, strides = array<i32>} : memref<72x1024xf32, #tpu.memory_space<vmem>>, vector<16xf32>,
            %get3A_600 = arith.index_cast %scan3A_216 : i32 to index
            %get3A_601 = arith.constant 1008 : index
            %get3A_602 = tpu.vector_load %arg12[%get3A_600, %get3A_601] {strides = array<i32>} : memref<48x1024xf32, #tpu.memory_space<vmem>>, vector<16xf32>,
            %swap3A_603 = arith.index_cast %squeeze3A_221 : i32 to index
            %swap3A_604 = arith.constant 1008 : index
            %swap3A_605 = tpu.vector_load %arg14[%swap3A_603, %swap3A_604] {strides = array<i32>} : memref<72x1024xf32, #tpu.memory_space<vmem>>, vector<16xf32>,
            tpu.vector_store %arg14[%swap3A_603, %swap3A_604], %get3A_602 {add = true, strides = array<i32>} : memref<72x1024xf32, #tpu.memory_space<vmem>>, vector<16xf32>,
            %scan3A_606 = arith.constant 0 : i32
            scf.yield %scan3A_606 : i32
          }
          %scan3A_214 = arith.constant 48 : i32
          %while3A_215 = arith.constant 0 : i32
          scf.yield %while3A_215 : i32
        }
        %while3A_122 = arith.constant 1 : i32
        %while3A_123 = scf.for %while3A_136 = %while3A_119 to %while3A_115 step %while3A_122 iter_args(%while3A_137 = %while3A_121) -> (i32)  : i32 {
          %mul3A_138 = arith.constant 48 : i32
          %mul3A_139 = arith.muli %while3A_136, %mul3A_138 : i32
          %add3A_140 = arith.addi %multiple_of3A, %mul3A_139 : i32
          %multiple_of3A_141 = tpu.assume_multiple %add3A_140, 8 : i32
          "tpu.region"() ({
            %run_scoped3A = tpu.sem_alloc : memref<!tpu.dma_semaphore, #tpu.memory_space<semaphore_mem>>
            %dma_start3A_216 = tpu.memref_slice %arg3[%multiple_of3A_141] : memref<200064xi32, #tpu.memory_space<hbm>> -> memref<48xi32, #tpu.memory_space<hbm>>
            %dma_start3A_217 = tpu.memref_slice %arg3[%multiple_of3A_141] : memref<200064xi32, #tpu.memory_space<hbm>> -> memref<48xi32, #tpu.memory_space<hbm>>
            tpu.enqueue_dma source(%dma_start3A_217 : memref<48xi32, #tpu.memory_space<hbm>>) target(%arg9 : memref<48xi32, #tpu.memory_space<vmem>>) target_semaphore(%run_scoped3A : memref<!tpu.dma_semaphore, #tpu.memory_space<semaphore_mem>>)
            %dma_wait3A_218 = tpu.memref_slice %arg3[%multiple_of3A_141] : memref<200064xi32, #tpu.memory_space<hbm>> -> memref<48xi32, #tpu.memory_space<hbm>>
            %dma_wait3A_219 = tpu.memref_slice %arg3[%multiple_of3A_141] : memref<200064xi32, #tpu.memory_space<hbm>> -> memref<48xi32, #tpu.memory_space<hbm>>
            tpu.wait_dma2 semaphore(%run_scoped3A : memref<!tpu.dma_semaphore, #tpu.memory_space<semaphore_mem>>) src(%dma_wait3A_219 : memref<48xi32, #tpu.memory_space<hbm>>) dst(%arg9 : memref<48xi32, #tpu.memory_space<vmem>>)
            tpu.yield
          }) : () -> ()
          %dma_start3A = arith.constant 0 : i32
          %dma_start3A_142 = arith.constant 0 : i32
          %dma_start3A_143 = tpu.memref_slice %arg2[%dma_start3A, %dma_start3A_142] : memref<10768x1024xf32, #tpu.memory_space<hbm>> -> memref<10768x1024xf32, #tpu.memory_space<hbm>>
          tpu.enqueue_indirect_dma source(%dma_start3A_143 : memref<10768x1024xf32, #tpu.memory_space<hbm>>) target(%arg12 : memref<48x1024xf32, #tpu.memory_space<vmem>>) offsets(%arg9 : memref<48xi32, #tpu.memory_space<vmem>>) semaphore(%arg15 : memref<!tpu.dma_semaphore, #tpu.memory_space<semaphore_mem>>)
          "tpu.region"() ({
            %run_scoped3A = tpu.sem_alloc : memref<!tpu.dma_semaphore, #tpu.memory_space<semaphore_mem>>
            %dma_start3A_216 = tpu.memref_slice %arg4[%multiple_of3A_141] : memref<200064xi32, #tpu.memory_space<hbm>> -> memref<48xi32, #tpu.memory_space<hbm>>
            %dma_start3A_217 = tpu.memref_slice %arg4[%multiple_of3A_141] : memref<200064xi32, #tpu.memory_space<hbm>> -> memref<48xi32, #tpu.memory_space<hbm>>
            tpu.enqueue_dma source(%dma_start3A_217 : memref<48xi32, #tpu.memory_space<hbm>>) target(%arg10 : memref<48xi32, #tpu.memory_space<vmem>>) target_semaphore(%run_scoped3A : memref<!tpu.dma_semaphore, #tpu.memory_space<semaphore_mem>>)
            %dma_wait3A_218 = tpu.memref_slice %arg4[%multiple_of3A_141] : memref<200064xi32, #tpu.memory_space<hbm>> -> memref<48xi32, #tpu.memory_space<hbm>>
            %dma_wait3A_219 = tpu.memref_slice %arg4[%multiple_of3A_141] : memref<200064xi32, #tpu.memory_space<hbm>> -> memref<48xi32, #tpu.memory_space<hbm>>
            tpu.wait_dma2 semaphore(%run_scoped3A : memref<!tpu.dma_semaphore, #tpu.memory_space<semaphore_mem>>) src(%dma_wait3A_219 : memref<48xi32, #tpu.memory_space<hbm>>) dst(%arg10 : memref<48xi32, #tpu.memory_space<vmem>>)
            tpu.yield
          }) : () -> ()
          %add3A_144 = arith.constant 0 : i32
          %add3A_145 = arith.addi %multiple_of3A_141, %add3A_144 : i32
          %add3A_146 = vector.broadcast %add3A_145 : i32 to vector<16xi32>
          %add3A_147 = arith.addi %add3A_146, %iota3A : vector<16xi32>
          %ge3A = vector.broadcast %squeeze3A : i32 to vector<16xi32>
          %ge3A_148 = arith.cmpi sge, %add3A_147, %ge3A : vector<16xi32>
          %lt3A_149 = vector.broadcast %squeeze3A_57 : i32 to vector<16xi32>
          %lt3A_150 = arith.cmpi slt, %add3A_147, %lt3A_149 : vector<16xi32>
          %and3A_151 = arith.andi %ge3A_148, %lt3A_150 : vector<16xi1>
          %get3A_152 = arith.constant 0 : index
          %get3A_153 = tpu.vector_load %arg10[%get3A_152] {strides = array<i32>} : memref<48xi32, #tpu.memory_space<vmem>>, vector<16xi32>,
          %sub3A_154 = vector.broadcast %mul3A_19 : i32 to vector<16xi32>
          %sub3A_155 = arith.subi %get3A_153, %sub3A_154 : vector<16xi32>
          %jit3A_156 = arith.constant 64 : i32
          %broadcast_in_dim3A_157 = vector.broadcast %jit3A_156 : i32 to vector<16xi32>
          %select_n3A_158 = arith.select %and3A_151, %sub3A_155, %broadcast_in_dim3A_157 : vector<16xi1>, vector<16xi32>
          %jit3A_159 = arith.constant 0.000000e+00 : f32
          %broadcast_in_dim3A_160 = vector.broadcast %jit3A_159 : f32 to vector<16xf32>
          %select_n3A_161 = arith.select %and3A_151, %broadcast_in_dim3A_3, %broadcast_in_dim3A_160 : vector<16xi1>, vector<16xf32>
          tpu.vector_store_idx %arg13[%select_n3A_158], %select_n3A_161 {add = true} : memref<80xf32, #tpu.memory_space<vmem>>[vector<16xi32>], vector<16xf32>,
          %swap3A_162 = arith.constant 0 : index
          %swap3A_163 = tpu.vector_load %arg11[%swap3A_162] {strides = array<i32>} : memref<64xi32, #tpu.memory_space<vmem>>, vector<16xi32>,
          tpu.vector_store %arg11[%swap3A_162], %select_n3A_158 {strides = array<i32>} : memref<64xi32, #tpu.memory_space<vmem>>, vector<16xi32>,
          %add3A_164 = arith.constant 16 : i32
          %add3A_165 = arith.addi %multiple_of3A_141, %add3A_164 : i32
          %add3A_166 = vector.broadcast %add3A_165 : i32 to vector<16xi32>
          %add3A_167 = arith.addi %add3A_166, %iota3A : vector<16xi32>
          %ge3A_168 = vector.broadcast %squeeze3A : i32 to vector<16xi32>
          %ge3A_169 = arith.cmpi sge, %add3A_167, %ge3A_168 : vector<16xi32>
          %lt3A_170 = vector.broadcast %squeeze3A_57 : i32 to vector<16xi32>
          %lt3A_171 = arith.cmpi slt, %add3A_167, %lt3A_170 : vector<16xi32>
          %and3A_172 = arith.andi %ge3A_169, %lt3A_171 : vector<16xi1>
          %get3A_173 = arith.constant 16 : index
          %get3A_174 = tpu.vector_load %arg10[%get3A_173] {strides = array<i32>} : memref<48xi32, #tpu.memory_space<vmem>>, vector<16xi32>,
          %sub3A_175 = vector.broadcast %mul3A_19 : i32 to vector<16xi32>
          %sub3A_176 = arith.subi %get3A_174, %sub3A_175 : vector<16xi32>
          %jit3A_177 = arith.constant 64 : i32
          %broadcast_in_dim3A_178 = vector.broadcast %jit3A_177 : i32 to vector<16xi32>
          %select_n3A_179 = arith.select %and3A_172, %sub3A_176, %broadcast_in_dim3A_178 : vector<16xi1>, vector<16xi32>
          %jit3A_180 = arith.constant 0.000000e+00 : f32
          %broadcast_in_dim3A_181 = vector.broadcast %jit3A_180 : f32 to vector<16xf32>
          %select_n3A_182 = arith.select %and3A_172, %broadcast_in_dim3A_3, %broadcast_in_dim3A_181 : vector<16xi1>, vector<16xf32>
          tpu.vector_store_idx %arg13[%select_n3A_179], %select_n3A_182 {add = true} : memref<80xf32, #tpu.memory_space<vmem>>[vector<16xi32>], vector<16xf32>,
          %swap3A_183 = arith.constant 16 : index
          %swap3A_184 = tpu.vector_load %arg11[%swap3A_183] {strides = array<i32>} : memref<64xi32, #tpu.memory_space<vmem>>, vector<16xi32>,
          tpu.vector_store %arg11[%swap3A_183], %select_n3A_179 {strides = array<i32>} : memref<64xi32, #tpu.memory_space<vmem>>, vector<16xi32>,
          %add3A_185 = arith.constant 32 : i32
          %add3A_186 = arith.addi %multiple_of3A_141, %add3A_185 : i32
          %add3A_187 = vector.broadcast %add3A_186 : i32 to vector<16xi32>
          %add3A_188 = arith.addi %add3A_187, %iota3A : vector<16xi32>
          %ge3A_189 = vector.broadcast %squeeze3A : i32 to vector<16xi32>
          %ge3A_190 = arith.cmpi sge, %add3A_188, %ge3A_189 : vector<16xi32>
          %lt3A_191 = vector.broadcast %squeeze3A_57 : i32 to vector<16xi32>
          %lt3A_192 = arith.cmpi slt, %add3A_188, %lt3A_191 : vector<16xi32>
          %and3A_193 = arith.andi %ge3A_190, %lt3A_192 : vector<16xi1>
          %get3A_194 = arith.constant 32 : index
          %get3A_195 = tpu.vector_load %arg10[%get3A_194] {strides = array<i32>} : memref<48xi32, #tpu.memory_space<vmem>>, vector<16xi32>,
          %sub3A_196 = vector.broadcast %mul3A_19 : i32 to vector<16xi32>
          %sub3A_197 = arith.subi %get3A_195, %sub3A_196 : vector<16xi32>
          %jit3A_198 = arith.constant 64 : i32
          %broadcast_in_dim3A_199 = vector.broadcast %jit3A_198 : i32 to vector<16xi32>
          %select_n3A_200 = arith.select %and3A_193, %sub3A_197, %broadcast_in_dim3A_199 : vector<16xi1>, vector<16xi32>
          %jit3A_201 = arith.constant 0.000000e+00 : f32
          %broadcast_in_dim3A_202 = vector.broadcast %jit3A_201 : f32 to vector<16xf32>
          %select_n3A_203 = arith.select %and3A_193, %broadcast_in_dim3A_3, %broadcast_in_dim3A_202 : vector<16xi1>, vector<16xf32>
          tpu.vector_store_idx %arg13[%select_n3A_200], %select_n3A_203 {add = true} : memref<80xf32, #tpu.memory_space<vmem>>[vector<16xi32>], vector<16xf32>,
          %swap3A_204 = arith.constant 32 : index
          %swap3A_205 = tpu.vector_load %arg11[%swap3A_204] {strides = array<i32>} : memref<64xi32, #tpu.memory_space<vmem>>, vector<16xi32>,
          tpu.vector_store %arg11[%swap3A_204], %select_n3A_200 {strides = array<i32>} : memref<64xi32, #tpu.memory_space<vmem>>, vector<16xi32>,
          %dma_wait3A = arith.constant 0 : i32
          %dma_wait3A_206 = arith.constant 0 : i32
          %dma_wait3A_207 = tpu.memref_slice %arg2[%dma_wait3A, %dma_wait3A_206] : memref<10768x1024xf32, #tpu.memory_space<hbm>> -> memref<10768x1024xf32, #tpu.memory_space<hbm>>
          tpu.wait_indirect_dma semaphore(%arg15 : memref<!tpu.dma_semaphore, #tpu.memory_space<semaphore_mem>>) src(%dma_wait3A_207 : memref<10768x1024xf32, #tpu.memory_space<hbm>>) dst(%arg12 : memref<48x1024xf32, #tpu.memory_space<vmem>>)
          %scan3A_208 = arith.constant 0 : i32
          %scan3A_209 = arith.constant 0 : i32
          %scan3A_210 = arith.constant 48 : i32
          %scan3A_211 = arith.addi %scan3A_209, %scan3A_210 : i32
          %scan3A_212 = arith.constant 1 : i32
          %scan3A_213 = scf.for %scan3A_216 = %scan3A_209 to %scan3A_211 step %scan3A_212 iter_args(%scan3A_217 = %scan3A_208) -> (i32)  : i32 {
            %get3A_218 = arith.index_cast %scan3A_216 : i32 to index
            %get3A_219 = tpu.vector_load %arg11[%get3A_218] {strides = array<i32>} : memref<64xi32, #tpu.memory_space<vmem>>, vector<16xi32>,
            %slice3A_220 = vector.extract_strided_slice %get3A_219 {offsets = [0], sizes = [1], strides = [1]} : vector<16xi32> to vector<1xi32>
            %squeeze3A_221 = vector.extract %slice3A_220[0] : i32 from vector<1xi32>
            %get3A_222 = arith.index_cast %scan3A_216 : i32 to index
            %get3A_223 = arith.constant 0 : index
            %get3A_224 = tpu.vector_load %arg12[%get3A_222, %get3A_223] {strides = array<i32>} : memref<48x1024xf32, #tpu.memory_space<vmem>>, vector<16xf32>,
            %swap3A_225 = arith.index_cast %squeeze3A_221 : i32 to index
            %swap3A_226 = arith.constant 0 : index
            %swap3A_227 = tpu.vector_load %arg14[%swap3A_225, %swap3A_226] {strides = array<i32>} : memref<72x1024xf32, #tpu.memory_space<vmem>>, vector<16xf32>,
            tpu.vector_store %arg14[%swap3A_225, %swap3A_226], %get3A_224 {add = true, strides = array<i32>} : memref<72x1024xf32, #tpu.memory_space<vmem>>, vector<16xf32>,
            %get3A_228 = arith.index_cast %scan3A_216 : i32 to index
            %get3A_229 = arith.constant 16 : index
            %get3A_230 = tpu.vector_load %arg12[%get3A_228, %get3A_229] {strides = array<i32>} : memref<48x1024xf32, #tpu.memory_space<vmem>>, vector<16xf32>,
            %swap3A_231 = arith.index_cast %squeeze3A_221 : i32 to index
            %swap3A_232 = arith.constant 16 : index
            %swap3A_233 = tpu.vector_load %arg14[%swap3A_231, %swap3A_232] {strides = array<i32>} : memref<72x1024xf32, #tpu.memory_space<vmem>>, vector<16xf32>,
            tpu.vector_store %arg14[%swap3A_231, %swap3A_232], %get3A_230 {add = true, strides = array<i32>} : memref<72x1024xf32, #tpu.memory_space<vmem>>, vector<16xf32>,
            %get3A_234 = arith.index_cast %scan3A_216 : i32 to index
            %get3A_235 = arith.constant 32 : index
            %get3A_236 = tpu.vector_load %arg12[%get3A_234, %get3A_235] {strides = array<i32>} : memref<48x1024xf32, #tpu.memory_space<vmem>>, vector<16xf32>,
            %swap3A_237 = arith.index_cast %squeeze3A_221 : i32 to index
            %swap3A_238 = arith.constant 32 : index
            %swap3A_239 = tpu.vector_load %arg14[%swap3A_237, %swap3A_238] {strides = array<i32>} : memref<72x1024xf32, #tpu.memory_space<vmem>>, vector<16xf32>,
            tpu.vector_store %arg14[%swap3A_237, %swap3A_238], %get3A_236 {add = true, strides = array<i32>} : memref<72x1024xf32, #tpu.memory_space<vmem>>, vector<16xf32>,
            %get3A_240 = arith.index_cast %scan3A_216 : i32 to index
            %get3A_241 = arith.constant 48 : index
            %get3A_242 = tpu.vector_load %arg12[%get3A_240, %get3A_241] {strides = array<i32>} : memref<48x1024xf32, #tpu.memory_space<vmem>>, vector<16xf32>,
            %swap3A_243 = arith.index_cast %squeeze3A_221 : i32 to index
            %swap3A_244 = arith.constant 48 : index
            %swap3A_245 = tpu.vector_load %arg14[%swap3A_243, %swap3A_244] {strides = array<i32>} : memref<72x1024xf32, #tpu.memory_space<vmem>>, vector<16xf32>,
            tpu.vector_store %arg14[%swap3A_243, %swap3A_244], %get3A_242 {add = true, strides = array<i32>} : memref<72x1024xf32, #tpu.memory_space<vmem>>, vector<16xf32>,
            %get3A_246 = arith.index_cast %scan3A_216 : i32 to index
            %get3A_247 = arith.constant 64 : index
            %get3A_248 = tpu.vector_load %arg12[%get3A_246, %get3A_247] {strides = array<i32>} : memref<48x1024xf32, #tpu.memory_space<vmem>>, vector<16xf32>,
            %swap3A_249 = arith.index_cast %squeeze3A_221 : i32 to index
            %swap3A_250 = arith.constant 64 : index
            %swap3A_251 = tpu.vector_load %arg14[%swap3A_249, %swap3A_250] {strides = array<i32>} : memref<72x1024xf32, #tpu.memory_space<vmem>>, vector<16xf32>,
            tpu.vector_store %arg14[%swap3A_249, %swap3A_250], %get3A_248 {add = true, strides = array<i32>} : memref<72x1024xf32, #tpu.memory_space<vmem>>, vector<16xf32>,
            %get3A_252 = arith.index_cast %scan3A_216 : i32 to index
            %get3A_253 = arith.constant 80 : index
            %get3A_254 = tpu.vector_load %arg12[%get3A_252, %get3A_253] {strides = array<i32>} : memref<48x1024xf32, #tpu.memory_space<vmem>>, vector<16xf32>,
            %swap3A_255 = arith.index_cast %squeeze3A_221 : i32 to index
            %swap3A_256 = arith.constant 80 : index
            %swap3A_257 = tpu.vector_load %arg14[%swap3A_255, %swap3A_256] {strides = array<i32>} : memref<72x1024xf32, #tpu.memory_space<vmem>>, vector<16xf32>,
            tpu.vector_store %arg14[%swap3A_255, %swap3A_256], %get3A_254 {add = true, strides = array<i32>} : memref<72x1024xf32, #tpu.memory_space<vmem>>, vector<16xf32>,
            %get3A_258 = arith.index_cast %scan3A_216 : i32 to index
            %get3A_259 = arith.constant 96 : index
            %get3A_260 = tpu.vector_load %arg12[%get3A_258, %get3A_259] {strides = array<i32>} : memref<48x1024xf32, #tpu.memory_space<vmem>>, vector<16xf32>,
            %swap3A_261 = arith.index_cast %squeeze3A_221 : i32 to index
            %swap3A_262 = arith.constant 96 : index
            %swap3A_263 = tpu.vector_load %arg14[%swap3A_261, %swap3A_262] {strides = array<i32>} : memref<72x1024xf32, #tpu.memory_space<vmem>>, vector<16xf32>,
            tpu.vector_store %arg14[%swap3A_261, %swap3A_262], %get3A_260 {add = true, strides = array<i32>} : memref<72x1024xf32, #tpu.memory_space<vmem>>, vector<16xf32>,
            %get3A_264 = arith.index_cast %scan3A_216 : i32 to index
            %get3A_265 = arith.constant 112 : index
            %get3A_266 = tpu.vector_load %arg12[%get3A_264, %get3A_265] {strides = array<i32>} : memref<48x1024xf32, #tpu.memory_space<vmem>>, vector<16xf32>,
            %swap3A_267 = arith.index_cast %squeeze3A_221 : i32 to index
            %swap3A_268 = arith.constant 112 : index
            %swap3A_269 = tpu.vector_load %arg14[%swap3A_267, %swap3A_268] {strides = array<i32>} : memref<72x1024xf32, #tpu.memory_space<vmem>>, vector<16xf32>,
            tpu.vector_store %arg14[%swap3A_267, %swap3A_268], %get3A_266 {add = true, strides = array<i32>} : memref<72x1024xf32, #tpu.memory_space<vmem>>, vector<16xf32>,
            %get3A_270 = arith.index_cast %scan3A_216 : i32 to index
            %get3A_271 = arith.constant 128 : index
            %get3A_272 = tpu.vector_load %arg12[%get3A_270, %get3A_271] {strides = array<i32>} : memref<48x1024xf32, #tpu.memory_space<vmem>>, vector<16xf32>,
            %swap3A_273 = arith.index_cast %squeeze3A_221 : i32 to index
            %swap3A_274 = arith.constant 128 : index
            %swap3A_275 = tpu.vector_load %arg14[%swap3A_273, %swap3A_274] {strides = array<i32>} : memref<72x1024xf32, #tpu.memory_space<vmem>>, vector<16xf32>,
            tpu.vector_store %arg14[%swap3A_273, %swap3A_274], %get3A_272 {add = true, strides = array<i32>} : memref<72x1024xf32, #tpu.memory_space<vmem>>, vector<16xf32>,
            %get3A_276 = arith.index_cast %scan3A_216 : i32 to index
            %get3A_277 = arith.constant 144 : index
            %get3A_278 = tpu.vector_load %arg12[%get3A_276, %get3A_277] {strides = array<i32>} : memref<48x1024xf32, #tpu.memory_space<vmem>>, vector<16xf32>,
            %swap3A_279 = arith.index_cast %squeeze3A_221 : i32 to index
            %swap3A_280 = arith.constant 144 : index
            %swap3A_281 = tpu.vector_load %arg14[%swap3A_279, %swap3A_280] {strides = array<i32>} : memref<72x1024xf32, #tpu.memory_space<vmem>>, vector<16xf32>,
            tpu.vector_store %arg14[%swap3A_279, %swap3A_280], %get3A_278 {add = true, strides = array<i32>} : memref<72x1024xf32, #tpu.memory_space<vmem>>, vector<16xf32>,
            %get3A_282 = arith.index_cast %scan3A_216 : i32 to index
            %get3A_283 = arith.constant 160 : index
            %get3A_284 = tpu.vector_load %arg12[%get3A_282, %get3A_283] {strides = array<i32>} : memref<48x1024xf32, #tpu.memory_space<vmem>>, vector<16xf32>,
            %swap3A_285 = arith.index_cast %squeeze3A_221 : i32 to index
            %swap3A_286 = arith.constant 160 : index
            %swap3A_287 = tpu.vector_load %arg14[%swap3A_285, %swap3A_286] {strides = array<i32>} : memref<72x1024xf32, #tpu.memory_space<vmem>>, vector<16xf32>,
            tpu.vector_store %arg14[%swap3A_285, %swap3A_286], %get3A_284 {add = true, strides = array<i32>} : memref<72x1024xf32, #tpu.memory_space<vmem>>, vector<16xf32>,
            %get3A_288 = arith.index_cast %scan3A_216 : i32 to index
            %get3A_289 = arith.constant 176 : index
            %get3A_290 = tpu.vector_load %arg12[%get3A_288, %get3A_289] {strides = array<i32>} : memref<48x1024xf32, #tpu.memory_space<vmem>>, vector<16xf32>,
            %swap3A_291 = arith.index_cast %squeeze3A_221 : i32 to index
            %swap3A_292 = arith.constant 176 : index
            %swap3A_293 = tpu.vector_load %arg14[%swap3A_291, %swap3A_292] {strides = array<i32>} : memref<72x1024xf32, #tpu.memory_space<vmem>>, vector<16xf32>,
            tpu.vector_store %arg14[%swap3A_291, %swap3A_292], %get3A_290 {add = true, strides = array<i32>} : memref<72x1024xf32, #tpu.memory_space<vmem>>, vector<16xf32>,
            %get3A_294 = arith.index_cast %scan3A_216 : i32 to index
            %get3A_295 = arith.constant 192 : index
            %get3A_296 = tpu.vector_load %arg12[%get3A_294, %get3A_295] {strides = array<i32>} : memref<48x1024xf32, #tpu.memory_space<vmem>>, vector<16xf32>,
            %swap3A_297 = arith.index_cast %squeeze3A_221 : i32 to index
            %swap3A_298 = arith.constant 192 : index
            %swap3A_299 = tpu.vector_load %arg14[%swap3A_297, %swap3A_298] {strides = array<i32>} : memref<72x1024xf32, #tpu.memory_space<vmem>>, vector<16xf32>,
            tpu.vector_store %arg14[%swap3A_297, %swap3A_298], %get3A_296 {add = true, strides = array<i32>} : memref<72x1024xf32, #tpu.memory_space<vmem>>, vector<16xf32>,
            %get3A_300 = arith.index_cast %scan3A_216 : i32 to index
            %get3A_301 = arith.constant 208 : index
            %get3A_302 = tpu.vector_load %arg12[%get3A_300, %get3A_301] {strides = array<i32>} : memref<48x1024xf32, #tpu.memory_space<vmem>>, vector<16xf32>,
            %swap3A_303 = arith.index_cast %squeeze3A_221 : i32 to index
            %swap3A_304 = arith.constant 208 : index
            %swap3A_305 = tpu.vector_load %arg14[%swap3A_303, %swap3A_304] {strides = array<i32>} : memref<72x1024xf32, #tpu.memory_space<vmem>>, vector<16xf32>,
            tpu.vector_store %arg14[%swap3A_303, %swap3A_304], %get3A_302 {add = true, strides = array<i32>} : memref<72x1024xf32, #tpu.memory_space<vmem>>, vector<16xf32>,
            %get3A_306 = arith.index_cast %scan3A_216 : i32 to index
            %get3A_307 = arith.constant 224 : index
            %get3A_308 = tpu.vector_load %arg12[%get3A_306, %get3A_307] {strides = array<i32>} : memref<48x1024xf32, #tpu.memory_space<vmem>>, vector<16xf32>,
            %swap3A_309 = arith.index_cast %squeeze3A_221 : i32 to index
            %swap3A_310 = arith.constant 224 : index
            %swap3A_311 = tpu.vector_load %arg14[%swap3A_309, %swap3A_310] {strides = array<i32>} : memref<72x1024xf32, #tpu.memory_space<vmem>>, vector<16xf32>,
            tpu.vector_store %arg14[%swap3A_309, %swap3A_310], %get3A_308 {add = true, strides = array<i32>} : memref<72x1024xf32, #tpu.memory_space<vmem>>, vector<16xf32>,
            %get3A_312 = arith.index_cast %scan3A_216 : i32 to index
            %get3A_313 = arith.constant 240 : index
            %get3A_314 = tpu.vector_load %arg12[%get3A_312, %get3A_313] {strides = array<i32>} : memref<48x1024xf32, #tpu.memory_space<vmem>>, vector<16xf32>,
            %swap3A_315 = arith.index_cast %squeeze3A_221 : i32 to index
            %swap3A_316 = arith.constant 240 : index
            %swap3A_317 = tpu.vector_load %arg14[%swap3A_315, %swap3A_316] {strides = array<i32>} : memref<72x1024xf32, #tpu.memory_space<vmem>>, vector<16xf32>,
            tpu.vector_store %arg14[%swap3A_315, %swap3A_316], %get3A_314 {add = true, strides = array<i32>} : memref<72x1024xf32, #tpu.memory_space<vmem>>, vector<16xf32>,
            %get3A_318 = arith.index_cast %scan3A_216 : i32 to index
            %get3A_319 = arith.constant 256 : index
            %get3A_320 = tpu.vector_load %arg12[%get3A_318, %get3A_319] {strides = array<i32>} : memref<48x1024xf32, #tpu.memory_space<vmem>>, vector<16xf32>,
            %swap3A_321 = arith.index_cast %squeeze3A_221 : i32 to index
            %swap3A_322 = arith.constant 256 : index
            %swap3A_323 = tpu.vector_load %arg14[%swap3A_321, %swap3A_322] {strides = array<i32>} : memref<72x1024xf32, #tpu.memory_space<vmem>>, vector<16xf32>,
            tpu.vector_store %arg14[%swap3A_321, %swap3A_322], %get3A_320 {add = true, strides = array<i32>} : memref<72x1024xf32, #tpu.memory_space<vmem>>, vector<16xf32>,
            %get3A_324 = arith.index_cast %scan3A_216 : i32 to index
            %get3A_325 = arith.constant 272 : index
            %get3A_326 = tpu.vector_load %arg12[%get3A_324, %get3A_325] {strides = array<i32>} : memref<48x1024xf32, #tpu.memory_space<vmem>>, vector<16xf32>,
            %swap3A_327 = arith.index_cast %squeeze3A_221 : i32 to index
            %swap3A_328 = arith.constant 272 : index
            %swap3A_329 = tpu.vector_load %arg14[%swap3A_327, %swap3A_328] {strides = array<i32>} : memref<72x1024xf32, #tpu.memory_space<vmem>>, vector<16xf32>,
            tpu.vector_store %arg14[%swap3A_327, %swap3A_328], %get3A_326 {add = true, strides = array<i32>} : memref<72x1024xf32, #tpu.memory_space<vmem>>, vector<16xf32>,
            %get3A_330 = arith.index_cast %scan3A_216 : i32 to index
            %get3A_331 = arith.constant 288 : index
            %get3A_332 = tpu.vector_load %arg12[%get3A_330, %get3A_331] {strides = array<i32>} : memref<48x1024xf32, #tpu.memory_space<vmem>>, vector<16xf32>,
            %swap3A_333 = arith.index_cast %squeeze3A_221 : i32 to index
            %swap3A_334 = arith.constant 288 : index
            %swap3A_335 = tpu.vector_load %arg14[%swap3A_333, %swap3A_334] {strides = array<i32>} : memref<72x1024xf32, #tpu.memory_space<vmem>>, vector<16xf32>,
            tpu.vector_store %arg14[%swap3A_333, %swap3A_334], %get3A_332 {add = true, strides = array<i32>} : memref<72x1024xf32, #tpu.memory_space<vmem>>, vector<16xf32>,
            %get3A_336 = arith.index_cast %scan3A_216 : i32 to index
            %get3A_337 = arith.constant 304 : index
            %get3A_338 = tpu.vector_load %arg12[%get3A_336, %get3A_337] {strides = array<i32>} : memref<48x1024xf32, #tpu.memory_space<vmem>>, vector<16xf32>,
            %swap3A_339 = arith.index_cast %squeeze3A_221 : i32 to index
            %swap3A_340 = arith.constant 304 : index
            %swap3A_341 = tpu.vector_load %arg14[%swap3A_339, %swap3A_340] {strides = array<i32>} : memref<72x1024xf32, #tpu.memory_space<vmem>>, vector<16xf32>,
            tpu.vector_store %arg14[%swap3A_339, %swap3A_340], %get3A_338 {add = true, strides = array<i32>} : memref<72x1024xf32, #tpu.memory_space<vmem>>, vector<16xf32>,
            %get3A_342 = arith.index_cast %scan3A_216 : i32 to index
            %get3A_343 = arith.constant 320 : index
            %get3A_344 = tpu.vector_load %arg12[%get3A_342, %get3A_343] {strides = array<i32>} : memref<48x1024xf32, #tpu.memory_space<vmem>>, vector<16xf32>,
            %swap3A_345 = arith.index_cast %squeeze3A_221 : i32 to index
            %swap3A_346 = arith.constant 320 : index
            %swap3A_347 = tpu.vector_load %arg14[%swap3A_345, %swap3A_346] {strides = array<i32>} : memref<72x1024xf32, #tpu.memory_space<vmem>>, vector<16xf32>,
            tpu.vector_store %arg14[%swap3A_345, %swap3A_346], %get3A_344 {add = true, strides = array<i32>} : memref<72x1024xf32, #tpu.memory_space<vmem>>, vector<16xf32>,
            %get3A_348 = arith.index_cast %scan3A_216 : i32 to index
            %get3A_349 = arith.constant 336 : index
            %get3A_350 = tpu.vector_load %arg12[%get3A_348, %get3A_349] {strides = array<i32>} : memref<48x1024xf32, #tpu.memory_space<vmem>>, vector<16xf32>,
            %swap3A_351 = arith.index_cast %squeeze3A_221 : i32 to index
            %swap3A_352 = arith.constant 336 : index
            %swap3A_353 = tpu.vector_load %arg14[%swap3A_351, %swap3A_352] {strides = array<i32>} : memref<72x1024xf32, #tpu.memory_space<vmem>>, vector<16xf32>,
            tpu.vector_store %arg14[%swap3A_351, %swap3A_352], %get3A_350 {add = true, strides = array<i32>} : memref<72x1024xf32, #tpu.memory_space<vmem>>, vector<16xf32>,
            %get3A_354 = arith.index_cast %scan3A_216 : i32 to index
            %get3A_355 = arith.constant 352 : index
            %get3A_356 = tpu.vector_load %arg12[%get3A_354, %get3A_355] {strides = array<i32>} : memref<48x1024xf32, #tpu.memory_space<vmem>>, vector<16xf32>,
            %swap3A_357 = arith.index_cast %squeeze3A_221 : i32 to index
            %swap3A_358 = arith.constant 352 : index
            %swap3A_359 = tpu.vector_load %arg14[%swap3A_357, %swap3A_358] {strides = array<i32>} : memref<72x1024xf32, #tpu.memory_space<vmem>>, vector<16xf32>,
            tpu.vector_store %arg14[%swap3A_357, %swap3A_358], %get3A_356 {add = true, strides = array<i32>} : memref<72x1024xf32, #tpu.memory_space<vmem>>, vector<16xf32>,
            %get3A_360 = arith.index_cast %scan3A_216 : i32 to index
            %get3A_361 = arith.constant 368 : index
            %get3A_362 = tpu.vector_load %arg12[%get3A_360, %get3A_361] {strides = array<i32>} : memref<48x1024xf32, #tpu.memory_space<vmem>>, vector<16xf32>,
            %swap3A_363 = arith.index_cast %squeeze3A_221 : i32 to index
            %swap3A_364 = arith.constant 368 : index
            %swap3A_365 = tpu.vector_load %arg14[%swap3A_363, %swap3A_364] {strides = array<i32>} : memref<72x1024xf32, #tpu.memory_space<vmem>>, vector<16xf32>,
            tpu.vector_store %arg14[%swap3A_363, %swap3A_364], %get3A_362 {add = true, strides = array<i32>} : memref<72x1024xf32, #tpu.memory_space<vmem>>, vector<16xf32>,
            %get3A_366 = arith.index_cast %scan3A_216 : i32 to index
            %get3A_367 = arith.constant 384 : index
            %get3A_368 = tpu.vector_load %arg12[%get3A_366, %get3A_367] {strides = array<i32>} : memref<48x1024xf32, #tpu.memory_space<vmem>>, vector<16xf32>,
            %swap3A_369 = arith.index_cast %squeeze3A_221 : i32 to index
            %swap3A_370 = arith.constant 384 : index
            %swap3A_371 = tpu.vector_load %arg14[%swap3A_369, %swap3A_370] {strides = array<i32>} : memref<72x1024xf32, #tpu.memory_space<vmem>>, vector<16xf32>,
            tpu.vector_store %arg14[%swap3A_369, %swap3A_370], %get3A_368 {add = true, strides = array<i32>} : memref<72x1024xf32, #tpu.memory_space<vmem>>, vector<16xf32>,
            %get3A_372 = arith.index_cast %scan3A_216 : i32 to index
            %get3A_373 = arith.constant 400 : index
            %get3A_374 = tpu.vector_load %arg12[%get3A_372, %get3A_373] {strides = array<i32>} : memref<48x1024xf32, #tpu.memory_space<vmem>>, vector<16xf32>,
            %swap3A_375 = arith.index_cast %squeeze3A_221 : i32 to index
            %swap3A_376 = arith.constant 400 : index
            %swap3A_377 = tpu.vector_load %arg14[%swap3A_375, %swap3A_376] {strides = array<i32>} : memref<72x1024xf32, #tpu.memory_space<vmem>>, vector<16xf32>,
            tpu.vector_store %arg14[%swap3A_375, %swap3A_376], %get3A_374 {add = true, strides = array<i32>} : memref<72x1024xf32, #tpu.memory_space<vmem>>, vector<16xf32>,
            %get3A_378 = arith.index_cast %scan3A_216 : i32 to index
            %get3A_379 = arith.constant 416 : index
            %get3A_380 = tpu.vector_load %arg12[%get3A_378, %get3A_379] {strides = array<i32>} : memref<48x1024xf32, #tpu.memory_space<vmem>>, vector<16xf32>,
            %swap3A_381 = arith.index_cast %squeeze3A_221 : i32 to index
            %swap3A_382 = arith.constant 416 : index
            %swap3A_383 = tpu.vector_load %arg14[%swap3A_381, %swap3A_382] {strides = array<i32>} : memref<72x1024xf32, #tpu.memory_space<vmem>>, vector<16xf32>,
            tpu.vector_store %arg14[%swap3A_381, %swap3A_382], %get3A_380 {add = true, strides = array<i32>} : memref<72x1024xf32, #tpu.memory_space<vmem>>, vector<16xf32>,
            %get3A_384 = arith.index_cast %scan3A_216 : i32 to index
            %get3A_385 = arith.constant 432 : index
            %get3A_386 = tpu.vector_load %arg12[%get3A_384, %get3A_385] {strides = array<i32>} : memref<48x1024xf32, #tpu.memory_space<vmem>>, vector<16xf32>,
            %swap3A_387 = arith.index_cast %squeeze3A_221 : i32 to index
            %swap3A_388 = arith.constant 432 : index
            %swap3A_389 = tpu.vector_load %arg14[%swap3A_387, %swap3A_388] {strides = array<i32>} : memref<72x1024xf32, #tpu.memory_space<vmem>>, vector<16xf32>,
            tpu.vector_store %arg14[%swap3A_387, %swap3A_388], %get3A_386 {add = true, strides = array<i32>} : memref<72x1024xf32, #tpu.memory_space<vmem>>, vector<16xf32>,
            %get3A_390 = arith.index_cast %scan3A_216 : i32 to index
            %get3A_391 = arith.constant 448 : index
            %get3A_392 = tpu.vector_load %arg12[%get3A_390, %get3A_391] {strides = array<i32>} : memref<48x1024xf32, #tpu.memory_space<vmem>>, vector<16xf32>,
            %swap3A_393 = arith.index_cast %squeeze3A_221 : i32 to index
            %swap3A_394 = arith.constant 448 : index
            %swap3A_395 = tpu.vector_load %arg14[%swap3A_393, %swap3A_394] {strides = array<i32>} : memref<72x1024xf32, #tpu.memory_space<vmem>>, vector<16xf32>,
            tpu.vector_store %arg14[%swap3A_393, %swap3A_394], %get3A_392 {add = true, strides = array<i32>} : memref<72x1024xf32, #tpu.memory_space<vmem>>, vector<16xf32>,
            %get3A_396 = arith.index_cast %scan3A_216 : i32 to index
            %get3A_397 = arith.constant 464 : index
            %get3A_398 = tpu.vector_load %arg12[%get3A_396, %get3A_397] {strides = array<i32>} : memref<48x1024xf32, #tpu.memory_space<vmem>>, vector<16xf32>,
            %swap3A_399 = arith.index_cast %squeeze3A_221 : i32 to index
            %swap3A_400 = arith.constant 464 : index
            %swap3A_401 = tpu.vector_load %arg14[%swap3A_399, %swap3A_400] {strides = array<i32>} : memref<72x1024xf32, #tpu.memory_space<vmem>>, vector<16xf32>,
            tpu.vector_store %arg14[%swap3A_399, %swap3A_400], %get3A_398 {add = true, strides = array<i32>} : memref<72x1024xf32, #tpu.memory_space<vmem>>, vector<16xf32>,
            %get3A_402 = arith.index_cast %scan3A_216 : i32 to index
            %get3A_403 = arith.constant 480 : index
            %get3A_404 = tpu.vector_load %arg12[%get3A_402, %get3A_403] {strides = array<i32>} : memref<48x1024xf32, #tpu.memory_space<vmem>>, vector<16xf32>,
            %swap3A_405 = arith.index_cast %squeeze3A_221 : i32 to index
            %swap3A_406 = arith.constant 480 : index
            %swap3A_407 = tpu.vector_load %arg14[%swap3A_405, %swap3A_406] {strides = array<i32>} : memref<72x1024xf32, #tpu.memory_space<vmem>>, vector<16xf32>,
            tpu.vector_store %arg14[%swap3A_405, %swap3A_406], %get3A_404 {add = true, strides = array<i32>} : memref<72x1024xf32, #tpu.memory_space<vmem>>, vector<16xf32>,
            %get3A_408 = arith.index_cast %scan3A_216 : i32 to index
            %get3A_409 = arith.constant 496 : index
            %get3A_410 = tpu.vector_load %arg12[%get3A_408, %get3A_409] {strides = array<i32>} : memref<48x1024xf32, #tpu.memory_space<vmem>>, vector<16xf32>,
            %swap3A_411 = arith.index_cast %squeeze3A_221 : i32 to index
            %swap3A_412 = arith.constant 496 : index
            %swap3A_413 = tpu.vector_load %arg14[%swap3A_411, %swap3A_412] {strides = array<i32>} : memref<72x1024xf32, #tpu.memory_space<vmem>>, vector<16xf32>,
            tpu.vector_store %arg14[%swap3A_411, %swap3A_412], %get3A_410 {add = true, strides = array<i32>} : memref<72x1024xf32, #tpu.memory_space<vmem>>, vector<16xf32>,
            %get3A_414 = arith.index_cast %scan3A_216 : i32 to index
            %get3A_415 = arith.constant 512 : index
            %get3A_416 = tpu.vector_load %arg12[%get3A_414, %get3A_415] {strides = array<i32>} : memref<48x1024xf32, #tpu.memory_space<vmem>>, vector<16xf32>,
            %swap3A_417 = arith.index_cast %squeeze3A_221 : i32 to index
            %swap3A_418 = arith.constant 512 : index
            %swap3A_419 = tpu.vector_load %arg14[%swap3A_417, %swap3A_418] {strides = array<i32>} : memref<72x1024xf32, #tpu.memory_space<vmem>>, vector<16xf32>,
            tpu.vector_store %arg14[%swap3A_417, %swap3A_418], %get3A_416 {add = true, strides = array<i32>} : memref<72x1024xf32, #tpu.memory_space<vmem>>, vector<16xf32>,
            %get3A_420 = arith.index_cast %scan3A_216 : i32 to index
            %get3A_421 = arith.constant 528 : index
            %get3A_422 = tpu.vector_load %arg12[%get3A_420, %get3A_421] {strides = array<i32>} : memref<48x1024xf32, #tpu.memory_space<vmem>>, vector<16xf32>,
            %swap3A_423 = arith.index_cast %squeeze3A_221 : i32 to index
            %swap3A_424 = arith.constant 528 : index
            %swap3A_425 = tpu.vector_load %arg14[%swap3A_423, %swap3A_424] {strides = array<i32>} : memref<72x1024xf32, #tpu.memory_space<vmem>>, vector<16xf32>,
            tpu.vector_store %arg14[%swap3A_423, %swap3A_424], %get3A_422 {add = true, strides = array<i32>} : memref<72x1024xf32, #tpu.memory_space<vmem>>, vector<16xf32>,
            %get3A_426 = arith.index_cast %scan3A_216 : i32 to index
            %get3A_427 = arith.constant 544 : index
            %get3A_428 = tpu.vector_load %arg12[%get3A_426, %get3A_427] {strides = array<i32>} : memref<48x1024xf32, #tpu.memory_space<vmem>>, vector<16xf32>,
            %swap3A_429 = arith.index_cast %squeeze3A_221 : i32 to index
            %swap3A_430 = arith.constant 544 : index
            %swap3A_431 = tpu.vector_load %arg14[%swap3A_429, %swap3A_430] {strides = array<i32>} : memref<72x1024xf32, #tpu.memory_space<vmem>>, vector<16xf32>,
            tpu.vector_store %arg14[%swap3A_429, %swap3A_430], %get3A_428 {add = true, strides = array<i32>} : memref<72x1024xf32, #tpu.memory_space<vmem>>, vector<16xf32>,
            %get3A_432 = arith.index_cast %scan3A_216 : i32 to index
            %get3A_433 = arith.constant 560 : index
            %get3A_434 = tpu.vector_load %arg12[%get3A_432, %get3A_433] {strides = array<i32>} : memref<48x1024xf32, #tpu.memory_space<vmem>>, vector<16xf32>,
            %swap3A_435 = arith.index_cast %squeeze3A_221 : i32 to index
            %swap3A_436 = arith.constant 560 : index
            %swap3A_437 = tpu.vector_load %arg14[%swap3A_435, %swap3A_436] {strides = array<i32>} : memref<72x1024xf32, #tpu.memory_space<vmem>>, vector<16xf32>,
            tpu.vector_store %arg14[%swap3A_435, %swap3A_436], %get3A_434 {add = true, strides = array<i32>} : memref<72x1024xf32, #tpu.memory_space<vmem>>, vector<16xf32>,
            %get3A_438 = arith.index_cast %scan3A_216 : i32 to index
            %get3A_439 = arith.constant 576 : index
            %get3A_440 = tpu.vector_load %arg12[%get3A_438, %get3A_439] {strides = array<i32>} : memref<48x1024xf32, #tpu.memory_space<vmem>>, vector<16xf32>,
            %swap3A_441 = arith.index_cast %squeeze3A_221 : i32 to index
            %swap3A_442 = arith.constant 576 : index
            %swap3A_443 = tpu.vector_load %arg14[%swap3A_441, %swap3A_442] {strides = array<i32>} : memref<72x1024xf32, #tpu.memory_space<vmem>>, vector<16xf32>,
            tpu.vector_store %arg14[%swap3A_441, %swap3A_442], %get3A_440 {add = true, strides = array<i32>} : memref<72x1024xf32, #tpu.memory_space<vmem>>, vector<16xf32>,
            %get3A_444 = arith.index_cast %scan3A_216 : i32 to index
            %get3A_445 = arith.constant 592 : index
            %get3A_446 = tpu.vector_load %arg12[%get3A_444, %get3A_445] {strides = array<i32>} : memref<48x1024xf32, #tpu.memory_space<vmem>>, vector<16xf32>,
            %swap3A_447 = arith.index_cast %squeeze3A_221 : i32 to index
            %swap3A_448 = arith.constant 592 : index
            %swap3A_449 = tpu.vector_load %arg14[%swap3A_447, %swap3A_448] {strides = array<i32>} : memref<72x1024xf32, #tpu.memory_space<vmem>>, vector<16xf32>,
            tpu.vector_store %arg14[%swap3A_447, %swap3A_448], %get3A_446 {add = true, strides = array<i32>} : memref<72x1024xf32, #tpu.memory_space<vmem>>, vector<16xf32>,
            %get3A_450 = arith.index_cast %scan3A_216 : i32 to index
            %get3A_451 = arith.constant 608 : index
            %get3A_452 = tpu.vector_load %arg12[%get3A_450, %get3A_451] {strides = array<i32>} : memref<48x1024xf32, #tpu.memory_space<vmem>>, vector<16xf32>,
            %swap3A_453 = arith.index_cast %squeeze3A_221 : i32 to index
            %swap3A_454 = arith.constant 608 : index
            %swap3A_455 = tpu.vector_load %arg14[%swap3A_453, %swap3A_454] {strides = array<i32>} : memref<72x1024xf32, #tpu.memory_space<vmem>>, vector<16xf32>,
            tpu.vector_store %arg14[%swap3A_453, %swap3A_454], %get3A_452 {add = true, strides = array<i32>} : memref<72x1024xf32, #tpu.memory_space<vmem>>, vector<16xf32>,
            %get3A_456 = arith.index_cast %scan3A_216 : i32 to index
            %get3A_457 = arith.constant 624 : index
            %get3A_458 = tpu.vector_load %arg12[%get3A_456, %get3A_457] {strides = array<i32>} : memref<48x1024xf32, #tpu.memory_space<vmem>>, vector<16xf32>,
            %swap3A_459 = arith.index_cast %squeeze3A_221 : i32 to index
            %swap3A_460 = arith.constant 624 : index
            %swap3A_461 = tpu.vector_load %arg14[%swap3A_459, %swap3A_460] {strides = array<i32>} : memref<72x1024xf32, #tpu.memory_space<vmem>>, vector<16xf32>,
            tpu.vector_store %arg14[%swap3A_459, %swap3A_460], %get3A_458 {add = true, strides = array<i32>} : memref<72x1024xf32, #tpu.memory_space<vmem>>, vector<16xf32>,
            %get3A_462 = arith.index_cast %scan3A_216 : i32 to index
            %get3A_463 = arith.constant 640 : index
            %get3A_464 = tpu.vector_load %arg12[%get3A_462, %get3A_463] {strides = array<i32>} : memref<48x1024xf32, #tpu.memory_space<vmem>>, vector<16xf32>,
            %swap3A_465 = arith.index_cast %squeeze3A_221 : i32 to index
            %swap3A_466 = arith.constant 640 : index
            %swap3A_467 = tpu.vector_load %arg14[%swap3A_465, %swap3A_466] {strides = array<i32>} : memref<72x1024xf32, #tpu.memory_space<vmem>>, vector<16xf32>,
            tpu.vector_store %arg14[%swap3A_465, %swap3A_466], %get3A_464 {add = true, strides = array<i32>} : memref<72x1024xf32, #tpu.memory_space<vmem>>, vector<16xf32>,
            %get3A_468 = arith.index_cast %scan3A_216 : i32 to index
            %get3A_469 = arith.constant 656 : index
            %get3A_470 = tpu.vector_load %arg12[%get3A_468, %get3A_469] {strides = array<i32>} : memref<48x1024xf32, #tpu.memory_space<vmem>>, vector<16xf32>,
            %swap3A_471 = arith.index_cast %squeeze3A_221 : i32 to index
            %swap3A_472 = arith.constant 656 : index
            %swap3A_473 = tpu.vector_load %arg14[%swap3A_471, %swap3A_472] {strides = array<i32>} : memref<72x1024xf32, #tpu.memory_space<vmem>>, vector<16xf32>,
            tpu.vector_store %arg14[%swap3A_471, %swap3A_472], %get3A_470 {add = true, strides = array<i32>} : memref<72x1024xf32, #tpu.memory_space<vmem>>, vector<16xf32>,
            %get3A_474 = arith.index_cast %scan3A_216 : i32 to index
            %get3A_475 = arith.constant 672 : index
            %get3A_476 = tpu.vector_load %arg12[%get3A_474, %get3A_475] {strides = array<i32>} : memref<48x1024xf32, #tpu.memory_space<vmem>>, vector<16xf32>,
            %swap3A_477 = arith.index_cast %squeeze3A_221 : i32 to index
            %swap3A_478 = arith.constant 672 : index
            %swap3A_479 = tpu.vector_load %arg14[%swap3A_477, %swap3A_478] {strides = array<i32>} : memref<72x1024xf32, #tpu.memory_space<vmem>>, vector<16xf32>,
            tpu.vector_store %arg14[%swap3A_477, %swap3A_478], %get3A_476 {add = true, strides = array<i32>} : memref<72x1024xf32, #tpu.memory_space<vmem>>, vector<16xf32>,
            %get3A_480 = arith.index_cast %scan3A_216 : i32 to index
            %get3A_481 = arith.constant 688 : index
            %get3A_482 = tpu.vector_load %arg12[%get3A_480, %get3A_481] {strides = array<i32>} : memref<48x1024xf32, #tpu.memory_space<vmem>>, vector<16xf32>,
            %swap3A_483 = arith.index_cast %squeeze3A_221 : i32 to index
            %swap3A_484 = arith.constant 688 : index
            %swap3A_485 = tpu.vector_load %arg14[%swap3A_483, %swap3A_484] {strides = array<i32>} : memref<72x1024xf32, #tpu.memory_space<vmem>>, vector<16xf32>,
            tpu.vector_store %arg14[%swap3A_483, %swap3A_484], %get3A_482 {add = true, strides = array<i32>} : memref<72x1024xf32, #tpu.memory_space<vmem>>, vector<16xf32>,
            %get3A_486 = arith.index_cast %scan3A_216 : i32 to index
            %get3A_487 = arith.constant 704 : index
            %get3A_488 = tpu.vector_load %arg12[%get3A_486, %get3A_487] {strides = array<i32>} : memref<48x1024xf32, #tpu.memory_space<vmem>>, vector<16xf32>,
            %swap3A_489 = arith.index_cast %squeeze3A_221 : i32 to index
            %swap3A_490 = arith.constant 704 : index
            %swap3A_491 = tpu.vector_load %arg14[%swap3A_489, %swap3A_490] {strides = array<i32>} : memref<72x1024xf32, #tpu.memory_space<vmem>>, vector<16xf32>,
            tpu.vector_store %arg14[%swap3A_489, %swap3A_490], %get3A_488 {add = true, strides = array<i32>} : memref<72x1024xf32, #tpu.memory_space<vmem>>, vector<16xf32>,
            %get3A_492 = arith.index_cast %scan3A_216 : i32 to index
            %get3A_493 = arith.constant 720 : index
            %get3A_494 = tpu.vector_load %arg12[%get3A_492, %get3A_493] {strides = array<i32>} : memref<48x1024xf32, #tpu.memory_space<vmem>>, vector<16xf32>,
            %swap3A_495 = arith.index_cast %squeeze3A_221 : i32 to index
            %swap3A_496 = arith.constant 720 : index
            %swap3A_497 = tpu.vector_load %arg14[%swap3A_495, %swap3A_496] {strides = array<i32>} : memref<72x1024xf32, #tpu.memory_space<vmem>>, vector<16xf32>,
            tpu.vector_store %arg14[%swap3A_495, %swap3A_496], %get3A_494 {add = true, strides = array<i32>} : memref<72x1024xf32, #tpu.memory_space<vmem>>, vector<16xf32>,
            %get3A_498 = arith.index_cast %scan3A_216 : i32 to index
            %get3A_499 = arith.constant 736 : index
            %get3A_500 = tpu.vector_load %arg12[%get3A_498, %get3A_499] {strides = array<i32>} : memref<48x1024xf32, #tpu.memory_space<vmem>>, vector<16xf32>,
            %swap3A_501 = arith.index_cast %squeeze3A_221 : i32 to index
            %swap3A_502 = arith.constant 736 : index
            %swap3A_503 = tpu.vector_load %arg14[%swap3A_501, %swap3A_502] {strides = array<i32>} : memref<72x1024xf32, #tpu.memory_space<vmem>>, vector<16xf32>,
            tpu.vector_store %arg14[%swap3A_501, %swap3A_502], %get3A_500 {add = true, strides = array<i32>} : memref<72x1024xf32, #tpu.memory_space<vmem>>, vector<16xf32>,
            %get3A_504 = arith.index_cast %scan3A_216 : i32 to index
            %get3A_505 = arith.constant 752 : index
            %get3A_506 = tpu.vector_load %arg12[%get3A_504, %get3A_505] {strides = array<i32>} : memref<48x1024xf32, #tpu.memory_space<vmem>>, vector<16xf32>,
            %swap3A_507 = arith.index_cast %squeeze3A_221 : i32 to index
            %swap3A_508 = arith.constant 752 : index
            %swap3A_509 = tpu.vector_load %arg14[%swap3A_507, %swap3A_508] {strides = array<i32>} : memref<72x1024xf32, #tpu.memory_space<vmem>>, vector<16xf32>,
            tpu.vector_store %arg14[%swap3A_507, %swap3A_508], %get3A_506 {add = true, strides = array<i32>} : memref<72x1024xf32, #tpu.memory_space<vmem>>, vector<16xf32>,
            %get3A_510 = arith.index_cast %scan3A_216 : i32 to index
            %get3A_511 = arith.constant 768 : index
            %get3A_512 = tpu.vector_load %arg12[%get3A_510, %get3A_511] {strides = array<i32>} : memref<48x1024xf32, #tpu.memory_space<vmem>>, vector<16xf32>,
            %swap3A_513 = arith.index_cast %squeeze3A_221 : i32 to index
            %swap3A_514 = arith.constant 768 : index
            %swap3A_515 = tpu.vector_load %arg14[%swap3A_513, %swap3A_514] {strides = array<i32>} : memref<72x1024xf32, #tpu.memory_space<vmem>>, vector<16xf32>,
            tpu.vector_store %arg14[%swap3A_513, %swap3A_514], %get3A_512 {add = true, strides = array<i32>} : memref<72x1024xf32, #tpu.memory_space<vmem>>, vector<16xf32>,
            %get3A_516 = arith.index_cast %scan3A_216 : i32 to index
            %get3A_517 = arith.constant 784 : index
            %get3A_518 = tpu.vector_load %arg12[%get3A_516, %get3A_517] {strides = array<i32>} : memref<48x1024xf32, #tpu.memory_space<vmem>>, vector<16xf32>,
            %swap3A_519 = arith.index_cast %squeeze3A_221 : i32 to index
            %swap3A_520 = arith.constant 784 : index
            %swap3A_521 = tpu.vector_load %arg14[%swap3A_519, %swap3A_520] {strides = array<i32>} : memref<72x1024xf32, #tpu.memory_space<vmem>>, vector<16xf32>,
            tpu.vector_store %arg14[%swap3A_519, %swap3A_520], %get3A_518 {add = true, strides = array<i32>} : memref<72x1024xf32, #tpu.memory_space<vmem>>, vector<16xf32>,
            %get3A_522 = arith.index_cast %scan3A_216 : i32 to index
            %get3A_523 = arith.constant 800 : index
            %get3A_524 = tpu.vector_load %arg12[%get3A_522, %get3A_523] {strides = array<i32>} : memref<48x1024xf32, #tpu.memory_space<vmem>>, vector<16xf32>,
            %swap3A_525 = arith.index_cast %squeeze3A_221 : i32 to index
            %swap3A_526 = arith.constant 800 : index
            %swap3A_527 = tpu.vector_load %arg14[%swap3A_525, %swap3A_526] {strides = array<i32>} : memref<72x1024xf32, #tpu.memory_space<vmem>>, vector<16xf32>,
            tpu.vector_store %arg14[%swap3A_525, %swap3A_526], %get3A_524 {add = true, strides = array<i32>} : memref<72x1024xf32, #tpu.memory_space<vmem>>, vector<16xf32>,
            %get3A_528 = arith.index_cast %scan3A_216 : i32 to index
            %get3A_529 = arith.constant 816 : index
            %get3A_530 = tpu.vector_load %arg12[%get3A_528, %get3A_529] {strides = array<i32>} : memref<48x1024xf32, #tpu.memory_space<vmem>>, vector<16xf32>,
            %swap3A_531 = arith.index_cast %squeeze3A_221 : i32 to index
            %swap3A_532 = arith.constant 816 : index
            %swap3A_533 = tpu.vector_load %arg14[%swap3A_531, %swap3A_532] {strides = array<i32>} : memref<72x1024xf32, #tpu.memory_space<vmem>>, vector<16xf32>,
            tpu.vector_store %arg14[%swap3A_531, %swap3A_532], %get3A_530 {add = true, strides = array<i32>} : memref<72x1024xf32, #tpu.memory_space<vmem>>, vector<16xf32>,
            %get3A_534 = arith.index_cast %scan3A_216 : i32 to index
            %get3A_535 = arith.constant 832 : index
            %get3A_536 = tpu.vector_load %arg12[%get3A_534, %get3A_535] {strides = array<i32>} : memref<48x1024xf32, #tpu.memory_space<vmem>>, vector<16xf32>,
            %swap3A_537 = arith.index_cast %squeeze3A_221 : i32 to index
            %swap3A_538 = arith.constant 832 : index
            %swap3A_539 = tpu.vector_load %arg14[%swap3A_537, %swap3A_538] {strides = array<i32>} : memref<72x1024xf32, #tpu.memory_space<vmem>>, vector<16xf32>,
            tpu.vector_store %arg14[%swap3A_537, %swap3A_538], %get3A_536 {add = true, strides = array<i32>} : memref<72x1024xf32, #tpu.memory_space<vmem>>, vector<16xf32>,
            %get3A_540 = arith.index_cast %scan3A_216 : i32 to index
            %get3A_541 = arith.constant 848 : index
            %get3A_542 = tpu.vector_load %arg12[%get3A_540, %get3A_541] {strides = array<i32>} : memref<48x1024xf32, #tpu.memory_space<vmem>>, vector<16xf32>,
            %swap3A_543 = arith.index_cast %squeeze3A_221 : i32 to index
            %swap3A_544 = arith.constant 848 : index
            %swap3A_545 = tpu.vector_load %arg14[%swap3A_543, %swap3A_544] {strides = array<i32>} : memref<72x1024xf32, #tpu.memory_space<vmem>>, vector<16xf32>,
            tpu.vector_store %arg14[%swap3A_543, %swap3A_544], %get3A_542 {add = true, strides = array<i32>} : memref<72x1024xf32, #tpu.memory_space<vmem>>, vector<16xf32>,
            %get3A_546 = arith.index_cast %scan3A_216 : i32 to index
            %get3A_547 = arith.constant 864 : index
            %get3A_548 = tpu.vector_load %arg12[%get3A_546, %get3A_547] {strides = array<i32>} : memref<48x1024xf32, #tpu.memory_space<vmem>>, vector<16xf32>,
            %swap3A_549 = arith.index_cast %squeeze3A_221 : i32 to index
            %swap3A_550 = arith.constant 864 : index
            %swap3A_551 = tpu.vector_load %arg14[%swap3A_549, %swap3A_550] {strides = array<i32>} : memref<72x1024xf32, #tpu.memory_space<vmem>>, vector<16xf32>,
            tpu.vector_store %arg14[%swap3A_549, %swap3A_550], %get3A_548 {add = true, strides = array<i32>} : memref<72x1024xf32, #tpu.memory_space<vmem>>, vector<16xf32>,
            %get3A_552 = arith.index_cast %scan3A_216 : i32 to index
            %get3A_553 = arith.constant 880 : index
            %get3A_554 = tpu.vector_load %arg12[%get3A_552, %get3A_553] {strides = array<i32>} : memref<48x1024xf32, #tpu.memory_space<vmem>>, vector<16xf32>,
            %swap3A_555 = arith.index_cast %squeeze3A_221 : i32 to index
            %swap3A_556 = arith.constant 880 : index
            %swap3A_557 = tpu.vector_load %arg14[%swap3A_555, %swap3A_556] {strides = array<i32>} : memref<72x1024xf32, #tpu.memory_space<vmem>>, vector<16xf32>,
            tpu.vector_store %arg14[%swap3A_555, %swap3A_556], %get3A_554 {add = true, strides = array<i32>} : memref<72x1024xf32, #tpu.memory_space<vmem>>, vector<16xf32>,
            %get3A_558 = arith.index_cast %scan3A_216 : i32 to index
            %get3A_559 = arith.constant 896 : index
            %get3A_560 = tpu.vector_load %arg12[%get3A_558, %get3A_559] {strides = array<i32>} : memref<48x1024xf32, #tpu.memory_space<vmem>>, vector<16xf32>,
            %swap3A_561 = arith.index_cast %squeeze3A_221 : i32 to index
            %swap3A_562 = arith.constant 896 : index
            %swap3A_563 = tpu.vector_load %arg14[%swap3A_561, %swap3A_562] {strides = array<i32>} : memref<72x1024xf32, #tpu.memory_space<vmem>>, vector<16xf32>,
            tpu.vector_store %arg14[%swap3A_561, %swap3A_562], %get3A_560 {add = true, strides = array<i32>} : memref<72x1024xf32, #tpu.memory_space<vmem>>, vector<16xf32>,
            %get3A_564 = arith.index_cast %scan3A_216 : i32 to index
            %get3A_565 = arith.constant 912 : index
            %get3A_566 = tpu.vector_load %arg12[%get3A_564, %get3A_565] {strides = array<i32>} : memref<48x1024xf32, #tpu.memory_space<vmem>>, vector<16xf32>,
            %swap3A_567 = arith.index_cast %squeeze3A_221 : i32 to index
            %swap3A_568 = arith.constant 912 : index
            %swap3A_569 = tpu.vector_load %arg14[%swap3A_567, %swap3A_568] {strides = array<i32>} : memref<72x1024xf32, #tpu.memory_space<vmem>>, vector<16xf32>,
            tpu.vector_store %arg14[%swap3A_567, %swap3A_568], %get3A_566 {add = true, strides = array<i32>} : memref<72x1024xf32, #tpu.memory_space<vmem>>, vector<16xf32>,
            %get3A_570 = arith.index_cast %scan3A_216 : i32 to index
            %get3A_571 = arith.constant 928 : index
            %get3A_572 = tpu.vector_load %arg12[%get3A_570, %get3A_571] {strides = array<i32>} : memref<48x1024xf32, #tpu.memory_space<vmem>>, vector<16xf32>,
            %swap3A_573 = arith.index_cast %squeeze3A_221 : i32 to index
            %swap3A_574 = arith.constant 928 : index
            %swap3A_575 = tpu.vector_load %arg14[%swap3A_573, %swap3A_574] {strides = array<i32>} : memref<72x1024xf32, #tpu.memory_space<vmem>>, vector<16xf32>,
            tpu.vector_store %arg14[%swap3A_573, %swap3A_574], %get3A_572 {add = true, strides = array<i32>} : memref<72x1024xf32, #tpu.memory_space<vmem>>, vector<16xf32>,
            %get3A_576 = arith.index_cast %scan3A_216 : i32 to index
            %get3A_577 = arith.constant 944 : index
            %get3A_578 = tpu.vector_load %arg12[%get3A_576, %get3A_577] {strides = array<i32>} : memref<48x1024xf32, #tpu.memory_space<vmem>>, vector<16xf32>,
            %swap3A_579 = arith.index_cast %squeeze3A_221 : i32 to index
            %swap3A_580 = arith.constant 944 : index
            %swap3A_581 = tpu.vector_load %arg14[%swap3A_579, %swap3A_580] {strides = array<i32>} : memref<72x1024xf32, #tpu.memory_space<vmem>>, vector<16xf32>,
            tpu.vector_store %arg14[%swap3A_579, %swap3A_580], %get3A_578 {add = true, strides = array<i32>} : memref<72x1024xf32, #tpu.memory_space<vmem>>, vector<16xf32>,
            %get3A_582 = arith.index_cast %scan3A_216 : i32 to index
            %get3A_583 = arith.constant 960 : index
            %get3A_584 = tpu.vector_load %arg12[%get3A_582, %get3A_583] {strides = array<i32>} : memref<48x1024xf32, #tpu.memory_space<vmem>>, vector<16xf32>,
            %swap3A_585 = arith.index_cast %squeeze3A_221 : i32 to index
            %swap3A_586 = arith.constant 960 : index
            %swap3A_587 = tpu.vector_load %arg14[%swap3A_585, %swap3A_586] {strides = array<i32>} : memref<72x1024xf32, #tpu.memory_space<vmem>>, vector<16xf32>,
            tpu.vector_store %arg14[%swap3A_585, %swap3A_586], %get3A_584 {add = true, strides = array<i32>} : memref<72x1024xf32, #tpu.memory_space<vmem>>, vector<16xf32>,
            %get3A_588 = arith.index_cast %scan3A_216 : i32 to index
            %get3A_589 = arith.constant 976 : index
            %get3A_590 = tpu.vector_load %arg12[%get3A_588, %get3A_589] {strides = array<i32>} : memref<48x1024xf32, #tpu.memory_space<vmem>>, vector<16xf32>,
            %swap3A_591 = arith.index_cast %squeeze3A_221 : i32 to index
            %swap3A_592 = arith.constant 976 : index
            %swap3A_593 = tpu.vector_load %arg14[%swap3A_591, %swap3A_592] {strides = array<i32>} : memref<72x1024xf32, #tpu.memory_space<vmem>>, vector<16xf32>,
            tpu.vector_store %arg14[%swap3A_591, %swap3A_592], %get3A_590 {add = true, strides = array<i32>} : memref<72x1024xf32, #tpu.memory_space<vmem>>, vector<16xf32>,
            %get3A_594 = arith.index_cast %scan3A_216 : i32 to index
            %get3A_595 = arith.constant 992 : index
            %get3A_596 = tpu.vector_load %arg12[%get3A_594, %get3A_595] {strides = array<i32>} : memref<48x1024xf32, #tpu.memory_space<vmem>>, vector<16xf32>,
            %swap3A_597 = arith.index_cast %squeeze3A_221 : i32 to index
            %swap3A_598 = arith.constant 992 : index
            %swap3A_599 = tpu.vector_load %arg14[%swap3A_597, %swap3A_598] {strides = array<i32>} : memref<72x1024xf32, #tpu.memory_space<vmem>>, vector<16xf32>,
            tpu.vector_store %arg14[%swap3A_597, %swap3A_598], %get3A_596 {add = true, strides = array<i32>} : memref<72x1024xf32, #tpu.memory_space<vmem>>, vector<16xf32>,
            %get3A_600 = arith.index_cast %scan3A_216 : i32 to index
            %get3A_601 = arith.constant 1008 : index
            %get3A_602 = tpu.vector_load %arg12[%get3A_600, %get3A_601] {strides = array<i32>} : memref<48x1024xf32, #tpu.memory_space<vmem>>, vector<16xf32>,
            %swap3A_603 = arith.index_cast %squeeze3A_221 : i32 to index
            %swap3A_604 = arith.constant 1008 : index
            %swap3A_605 = tpu.vector_load %arg14[%swap3A_603, %swap3A_604] {strides = array<i32>} : memref<72x1024xf32, #tpu.memory_space<vmem>>, vector<16xf32>,
            tpu.vector_store %arg14[%swap3A_603, %swap3A_604], %get3A_602 {add = true, strides = array<i32>} : memref<72x1024xf32, #tpu.memory_space<vmem>>, vector<16xf32>,
            %scan3A_606 = arith.constant 0 : i32
            scf.yield %scan3A_606 : i32
          }
          %scan3A_214 = arith.constant 48 : i32
          %while3A_215 = arith.constant 0 : i32
          scf.yield %while3A_215 : i32
        }
        %while3A_124 = arith.constant 0 : i32
        %while3A_125 = arith.constant 0 : i32
        %while3A_126 = arith.subi %select_n3A, %while3A_124 : i32
        %while3A_127 = arith.addi %while3A_124, %while3A_126 : i32
        %while3A_128 = arith.constant 1 : i32
        %while3A_129 = arith.divsi %while3A_126, %while3A_128 : i32
        %while3A_130 = arith.muli %while3A_129, %while3A_128 : i32
        %while3A_131 = arith.addi %while3A_124, %while3A_130 : i32
        %while3A_132 = arith.constant 1 : i32
        %while3A_133 = scf.for %while3A_136 = %while3A_124 to %while3A_131 step %while3A_132 iter_args(%while3A_137 = %while3A_125) -> (i32)  : i32 {
          %mul3A_138 = arith.constant 16 : i32
          %mul3A_139 = arith.muli %while3A_136, %mul3A_138 : i32
          %add3A_140 = arith.addi %mul3A_19, %mul3A_139 : i32
          %multiple_of3A_141 = tpu.assume_multiple %add3A_140, 8 : i32
          %mul3A_142 = arith.constant 16 : i32
          %mul3A_143 = arith.muli %while3A_136, %mul3A_142 : i32
          "tpu.region"() ({
            %run_scoped3A = tpu.sem_alloc : memref<!tpu.dma_semaphore, #tpu.memory_space<semaphore_mem>>
            %dma_start3A = arith.constant 0 : i32
            %dma_start3A_147 = tpu.memref_slice %arg14[%mul3A_143, %dma_start3A] : memref<72x1024xf32, #tpu.memory_space<vmem>> -> memref<16x1024xf32, #tpu.memory_space<vmem>>
            %dma_start3A_148 = arith.constant 0 : i32
            %dma_start3A_149 = tpu.memref_slice %arg6[%multiple_of3A_141, %dma_start3A_148] : memref<10768x1024xf32, #tpu.memory_space<hbm>> -> memref<16x1024xf32, #tpu.memory_space<hbm>>
            %dma_start3A_150 = arith.constant 0 : i32
            %dma_start3A_151 = tpu.memref_slice %arg6[%multiple_of3A_141, %dma_start3A_150] : memref<10768x1024xf32, #tpu.memory_space<hbm>> -> memref<16x1024xf32, #tpu.memory_space<hbm>>
            %dma_start3A_152 = arith.constant 0 : i32
            %dma_start3A_153 = tpu.memref_slice %arg14[%mul3A_143, %dma_start3A_152] : memref<72x1024xf32, #tpu.memory_space<vmem>> -> memref<16x1024xf32, #tpu.memory_space<vmem>>
            tpu.enqueue_dma source(%dma_start3A_153 : memref<16x1024xf32, #tpu.memory_space<vmem>>) target(%dma_start3A_151 : memref<16x1024xf32, #tpu.memory_space<hbm>>) target_semaphore(%run_scoped3A : memref<!tpu.dma_semaphore, #tpu.memory_space<semaphore_mem>>)
            %dma_wait3A = arith.constant 0 : i32
            %dma_wait3A_154 = tpu.memref_slice %arg14[%mul3A_143, %dma_wait3A] : memref<72x1024xf32, #tpu.memory_space<vmem>> -> memref<16x1024xf32, #tpu.memory_space<vmem>>
            %dma_wait3A_155 = arith.constant 0 : i32
            %dma_wait3A_156 = tpu.memref_slice %arg6[%multiple_of3A_141, %dma_wait3A_155] : memref<10768x1024xf32, #tpu.memory_space<hbm>> -> memref<16x1024xf32, #tpu.memory_space<hbm>>
            %dma_wait3A_157 = arith.constant 0 : i32
            %dma_wait3A_158 = tpu.memref_slice %arg6[%multiple_of3A_141, %dma_wait3A_157] : memref<10768x1024xf32, #tpu.memory_space<hbm>> -> memref<16x1024xf32, #tpu.memory_space<hbm>>
            %dma_wait3A_159 = arith.constant 0 : i32
            %dma_wait3A_160 = tpu.memref_slice %arg14[%mul3A_143, %dma_wait3A_159] : memref<72x1024xf32, #tpu.memory_space<vmem>> -> memref<16x1024xf32, #tpu.memory_space<vmem>>
            tpu.wait_dma2 semaphore(%run_scoped3A : memref<!tpu.dma_semaphore, #tpu.memory_space<semaphore_mem>>) src(%dma_wait3A_160 : memref<16x1024xf32, #tpu.memory_space<vmem>>) dst(%dma_wait3A_158 : memref<16x1024xf32, #tpu.memory_space<hbm>>)
            tpu.yield
          }) : () -> ()
          %mul3A_144 = arith.constant 16 : i32
          %mul3A_145 = arith.muli %while3A_136, %mul3A_144 : i32
          "tpu.region"() ({
            %run_scoped3A = tpu.sem_alloc : memref<!tpu.dma_semaphore, #tpu.memory_space<semaphore_mem>>
            %dma_start3A = tpu.memref_slice %arg13[%mul3A_145] : memref<80xf32, #tpu.memory_space<vmem>> -> memref<16xf32, #tpu.memory_space<vmem>>
            %dma_start3A_147 = tpu.memref_slice %arg7[%multiple_of3A_141] : memref<10768xf32, #tpu.memory_space<hbm>> -> memref<16xf32, #tpu.memory_space<hbm>>
            %dma_start3A_148 = tpu.memref_slice %arg7[%multiple_of3A_141] : memref<10768xf32, #tpu.memory_space<hbm>> -> memref<16xf32, #tpu.memory_space<hbm>>
            %dma_start3A_149 = tpu.memref_slice %arg13[%mul3A_145] : memref<80xf32, #tpu.memory_space<vmem>> -> memref<16xf32, #tpu.memory_space<vmem>>
            tpu.enqueue_dma source(%dma_start3A_149 : memref<16xf32, #tpu.memory_space<vmem>>) target(%dma_start3A_148 : memref<16xf32, #tpu.memory_space<hbm>>) target_semaphore(%run_scoped3A : memref<!tpu.dma_semaphore, #tpu.memory_space<semaphore_mem>>)
            %dma_wait3A = tpu.memref_slice %arg13[%mul3A_145] : memref<80xf32, #tpu.memory_space<vmem>> -> memref<16xf32, #tpu.memory_space<vmem>>
            %dma_wait3A_150 = tpu.memref_slice %arg7[%multiple_of3A_141] : memref<10768xf32, #tpu.memory_space<hbm>> -> memref<16xf32, #tpu.memory_space<hbm>>
            %dma_wait3A_151 = tpu.memref_slice %arg7[%multiple_of3A_141] : memref<10768xf32, #tpu.memory_space<hbm>> -> memref<16xf32, #tpu.memory_space<hbm>>
            %dma_wait3A_152 = tpu.memref_slice %arg13[%mul3A_145] : memref<80xf32, #tpu.memory_space<vmem>> -> memref<16xf32, #tpu.memory_space<vmem>>
            tpu.wait_dma2 semaphore(%run_scoped3A : memref<!tpu.dma_semaphore, #tpu.memory_space<semaphore_mem>>) src(%dma_wait3A_152 : memref<16xf32, #tpu.memory_space<vmem>>) dst(%dma_wait3A_151 : memref<16xf32, #tpu.memory_space<hbm>>)
            tpu.yield
          }) : () -> ()
          %while3A_146 = arith.constant 0 : i32
          scf.yield %while3A_146 : i32
        }
        %while3A_134 = arith.constant 1 : i32
        %while3A_135 = scf.for %while3A_136 = %while3A_131 to %while3A_127 step %while3A_134 iter_args(%while3A_137 = %while3A_133) -> (i32)  : i32 {
          %mul3A_138 = arith.constant 16 : i32
          %mul3A_139 = arith.muli %while3A_136, %mul3A_138 : i32
          %add3A_140 = arith.addi %mul3A_19, %mul3A_139 : i32
          %multiple_of3A_141 = tpu.assume_multiple %add3A_140, 8 : i32
          %mul3A_142 = arith.constant 16 : i32
          %mul3A_143 = arith.muli %while3A_136, %mul3A_142 : i32
          "tpu.region"() ({
            %run_scoped3A = tpu.sem_alloc : memref<!tpu.dma_semaphore, #tpu.memory_space<semaphore_mem>>
            %dma_start3A = arith.constant 0 : i32
            %dma_start3A_147 = tpu.memref_slice %arg14[%mul3A_143, %dma_start3A] : memref<72x1024xf32, #tpu.memory_space<vmem>> -> memref<16x1024xf32, #tpu.memory_space<vmem>>
            %dma_start3A_148 = arith.constant 0 : i32
            %dma_start3A_149 = tpu.memref_slice %arg6[%multiple_of3A_141, %dma_start3A_148] : memref<10768x1024xf32, #tpu.memory_space<hbm>> -> memref<16x1024xf32, #tpu.memory_space<hbm>>
            %dma_start3A_150 = arith.constant 0 : i32
            %dma_start3A_151 = tpu.memref_slice %arg6[%multiple_of3A_141, %dma_start3A_150] : memref<10768x1024xf32, #tpu.memory_space<hbm>> -> memref<16x1024xf32, #tpu.memory_space<hbm>>
            %dma_start3A_152 = arith.constant 0 : i32
            %dma_start3A_153 = tpu.memref_slice %arg14[%mul3A_143, %dma_start3A_152] : memref<72x1024xf32, #tpu.memory_space<vmem>> -> memref<16x1024xf32, #tpu.memory_space<vmem>>
            tpu.enqueue_dma source(%dma_start3A_153 : memref<16x1024xf32, #tpu.memory_space<vmem>>) target(%dma_start3A_151 : memref<16x1024xf32, #tpu.memory_space<hbm>>) target_semaphore(%run_scoped3A : memref<!tpu.dma_semaphore, #tpu.memory_space<semaphore_mem>>)
            %dma_wait3A = arith.constant 0 : i32
            %dma_wait3A_154 = tpu.memref_slice %arg14[%mul3A_143, %dma_wait3A] : memref<72x1024xf32, #tpu.memory_space<vmem>> -> memref<16x1024xf32, #tpu.memory_space<vmem>>
            %dma_wait3A_155 = arith.constant 0 : i32
            %dma_wait3A_156 = tpu.memref_slice %arg6[%multiple_of3A_141, %dma_wait3A_155] : memref<10768x1024xf32, #tpu.memory_space<hbm>> -> memref<16x1024xf32, #tpu.memory_space<hbm>>
            %dma_wait3A_157 = arith.constant 0 : i32
            %dma_wait3A_158 = tpu.memref_slice %arg6[%multiple_of3A_141, %dma_wait3A_157] : memref<10768x1024xf32, #tpu.memory_space<hbm>> -> memref<16x1024xf32, #tpu.memory_space<hbm>>
            %dma_wait3A_159 = arith.constant 0 : i32
            %dma_wait3A_160 = tpu.memref_slice %arg14[%mul3A_143, %dma_wait3A_159] : memref<72x1024xf32, #tpu.memory_space<vmem>> -> memref<16x1024xf32, #tpu.memory_space<vmem>>
            tpu.wait_dma2 semaphore(%run_scoped3A : memref<!tpu.dma_semaphore, #tpu.memory_space<semaphore_mem>>) src(%dma_wait3A_160 : memref<16x1024xf32, #tpu.memory_space<vmem>>) dst(%dma_wait3A_158 : memref<16x1024xf32, #tpu.memory_space<hbm>>)
            tpu.yield
          }) : () -> ()
          %mul3A_144 = arith.constant 16 : i32
          %mul3A_145 = arith.muli %while3A_136, %mul3A_144 : i32
          "tpu.region"() ({
            %run_scoped3A = tpu.sem_alloc : memref<!tpu.dma_semaphore, #tpu.memory_space<semaphore_mem>>
            %dma_start3A = tpu.memref_slice %arg13[%mul3A_145] : memref<80xf32, #tpu.memory_space<vmem>> -> memref<16xf32, #tpu.memory_space<vmem>>
            %dma_start3A_147 = tpu.memref_slice %arg7[%multiple_of3A_141] : memref<10768xf32, #tpu.memory_space<hbm>> -> memref<16xf32, #tpu.memory_space<hbm>>
            %dma_start3A_148 = tpu.memref_slice %arg7[%multiple_of3A_141] : memref<10768xf32, #tpu.memory_space<hbm>> -> memref<16xf32, #tpu.memory_space<hbm>>
            %dma_start3A_149 = tpu.memref_slice %arg13[%mul3A_145] : memref<80xf32, #tpu.memory_space<vmem>> -> memref<16xf32, #tpu.memory_space<vmem>>
            tpu.enqueue_dma source(%dma_start3A_149 : memref<16xf32, #tpu.memory_space<vmem>>) target(%dma_start3A_148 : memref<16xf32, #tpu.memory_space<hbm>>) target_semaphore(%run_scoped3A : memref<!tpu.dma_semaphore, #tpu.memory_space<semaphore_mem>>)
            %dma_wait3A = tpu.memref_slice %arg13[%mul3A_145] : memref<80xf32, #tpu.memory_space<vmem>> -> memref<16xf32, #tpu.memory_space<vmem>>
            %dma_wait3A_150 = tpu.memref_slice %arg7[%multiple_of3A_141] : memref<10768xf32, #tpu.memory_space<hbm>> -> memref<16xf32, #tpu.memory_space<hbm>>
            %dma_wait3A_151 = tpu.memref_slice %arg7[%multiple_of3A_141] : memref<10768xf32, #tpu.memory_space<hbm>> -> memref<16xf32, #tpu.memory_space<hbm>>
            %dma_wait3A_152 = tpu.memref_slice %arg13[%mul3A_145] : memref<80xf32, #tpu.memory_space<vmem>> -> memref<16xf32, #tpu.memory_space<vmem>>
            tpu.wait_dma2 semaphore(%run_scoped3A : memref<!tpu.dma_semaphore, #tpu.memory_space<semaphore_mem>>) src(%dma_wait3A_152 : memref<16xf32, #tpu.memory_space<vmem>>) dst(%dma_wait3A_151 : memref<16xf32, #tpu.memory_space<hbm>>)
            tpu.yield
          }) : () -> ()
          %while3A_146 = arith.constant 0 : i32
          scf.yield %while3A_146 : i32
        }
      } else {
      }
      %scan3A_17 = arith.constant 0 : i32
      scf.yield %scan3A_17 : i32
    }
    %scan3A_9 = arith.constant 6 : i32
    return
  }
}

</mosaic_0001>

<sc_bundles>
// kernel: _sc_round.3.cloned.1.call-start
scs
__scs_entry_jumppad:
0x0: {  	(pc) =	sbr.rel $0x88, $3  }
0x1: {  	(tag) =	ssettag $0x0;
	lr =	simm.s32 $0x1  }
0x2: {  	[smem:$0x3F9D] =	sst lr;
	_ =	strace $0xD0000000  }
0x3: {  	_ = 	snop  }
0x4: {  	_ = 	snop  }
0x5: {  	_ = 	snop  }
0x6: {  	_ = 	snop  }
0x7: {  	_ = 	snop  }
__scs_overlays_trampoline_lowered:
0x8: {  	[smem:$0x3FAC] =	sst s0  }
0x9: {  	[smem:$0x3FAD] =	sst s1  }
0xa: {  	[smem:$0x3FAE] =	sst s2  }
0xb: {  	[smem:$0x3FAF] =	sst s3  }
0xc: {  	[smem:$0x3FB0] =	sst s4  }
0xd: {  	[smem:$0x3FB1] =	sst s5  }
0xe: {  	[smem:$0x3FB2] =	sst s6  }
0xf: {  	[smem:$0x3FB3] =	sst s7  }
0x10: {  	[smem:$0x3FB4] =	sst s8  }
0x11: {  	[smem:$0x3FB5] =	sst s9;
	s0 =	simm.s32 @!p0 $0x0  }
0x12: {  	s1 =	sld [smem:$0x3F9B];
	s0 =	simm.s32 @p0 $0x1  }
0x13: {  	[smem:$0x3FB6] =	sst s0;
	s0 =	simm.s32 @!p1 $0x0  }
0x14: {  	s2 =	sld [smem:$0x3F9A];
	s0 =	simm.s32 @p1 $0x1  }
0x15: {  	[smem:$0x3FB7] =	sst s0;
	s0 =	simm.s32 @!p2 $0x0  }
0x16: {  	s3 =	sld [smem:$0x3FDB];
	s0 =	simm.s32 @p2 $0x1  }
0x17: {  	s4 =	simm.s32 $0x1BF5;
	[smem:$0x3FB9] =	sst s0  }
0x18: {  	s0 =	sld [smem:$0x3F9C];
	_ =	swait.ge [sflag:s4], $0x0  }
0x19: {  	s7 =	sld [smem:$0x3F9D]  }
0x1a: {  	s8 =	sadd.s32 $0xFFFFE003, lr  }
0x1b: {  	s9 =	sadd.s32 $0xFFFFFEF7, lr;
	s5 =	simm.s32 $0xFFFFFFFF;
	p2 =	slt.u32 s8, $0xFFFFF086  }
0x1c: {  	p1 =	slt.u32 s9, $0xF7A;
	s5 =	simm.s32 @!p2 $0x0  }
0x1d: {  	s5 =	simm.s32 @p1 $0x1;
	p0 =	seq.s32 s7, s2  }
0x1e: {  	s7 =	smul.u32 @!p0 $0xF7A, s2;
	p2 =	seq.s32 @!p0 s5, $0x0  }
0x1f: {  	s9 =	smul.u32 $0xF7A, s1;
	s8 =	simm.s32 @!p0 $0x1BF5;
	p2 =	por !p2, p0  }
0x20: {  	[sflag:s8] =	ssyncset.s32 @!p0 $0xFFFFF086;
	s6 =	sadd.s32 @!p0 s3, s7;
	s7 =	simm.s32 @!p0 $0x108  }
0x21: {  	s3 =	sadd.s32 s3, s9;
	s6 =	sadd.s32 @!p0 $0x88, s6;
	s7 =	simm.s32 @p2 $0x1082  }
0x22: {  	[simem:s7], [sflag:s8] =	dma.local @!p0 [hbm:s6], $0xF7A  }
0x23: {  	s9 =	sor.u32 $0xD0000000, s2;
	s6 =	simm.s32 $0x108;
	_ =	swait.ge @!p0 [sflag:s8], $0x0  }
0x24: {  	s3 =	sadd.s32 $0x88, s3;
	s6 =	simm.s32 @!p1 $0x1082;
	[sflag:s4] =	ssyncset.s32 $0xFFFFF086  }
0x25: {  	[simem:s6], [sflag:s4] =	dma.local [hbm:s3], $0xF7A  }
0x26: {  	[smem:$0x3F9D] =	sst s1;
	(tag) =	ssettag s2;
	_ =	strace s9  }
0x27: {  	s1 =	sld [smem:$0x3FAD]  }
0x28: {  	s2 =	sld [smem:$0x3FAE]  }
0x29: {  	s4 =	sld [smem:$0x3FB0]  }
0x2a: {  	p0 =	seq.s32 s5, $0x0;
	s5 =	sld [smem:$0x3FB1]  }
0x2b: {  	s6 =	sld [smem:$0x3FB2]  }
0x2c: {  	s7 =	sld [smem:$0x3FB3]  }
0x2d: {  	s3 =	simm.s32 $0x108;
	s8 =	sld [smem:$0x3FB4]  }
0x2e: {  	s3 =	simm.s32 @!p0 $0x1082;
	s9 =	sld [smem:$0x3FB5]  }
0x2f: {  	lr =	sadd.s32 s0, s3;
	s0 =	sld [smem:$0x3FAC]  }
0x30: {  	s3 =	sld [smem:$0x3FAF]  }
0x31: {  	[smem:$0x3FB8] =	sst s10  }
0x32: {  	s10 =	sld [smem:$0x3FB6];
	_ =	sdelay $0x3  }
0x33: {  	p0 =	seq.s32 s10, $0x1;
	s10 =	sld [smem:$0x3FB8];
	_ =	sdelay $0x3  }
0x34: {  	[smem:$0x3FB8] =	sst s10  }
0x35: {  	s10 =	sld [smem:$0x3FB7];
	_ =	sdelay $0x3  }
0x36: {  	p1 =	seq.s32 s10, $0x1;
	s10 =	sld [smem:$0x3FB8];
	_ =	sdelay $0x3  }
0x37: {  	[smem:$0x3FB8] =	sst s10  }
0x38: {  	s10 =	sld [smem:$0x3FB9]  }
0x39: {  	_ = 	snop;
	(pc) =	sbr.ind lr, $3  }
0x3a: {  	_ = 	snop  }
0x3b: {  	_ = 	snop  }
0x3c: {  	p2 =	seq.s32 s10, $0x1;
	s10 =	sld [smem:$0x3FB8]  }
0x3d: {  	_ =	shalt  }
0x3e: {  	_ =	shalt  }
0x3f: {  	_ =	shalt  }
0x40: {  	_ =	shalt  }
0x41: {  	_ =	shalt  }
0x42: {  	_ =	shalt  }
0x43: {  	_ =	shalt  }
0x44: {  	_ =	shalt  }
0x45: {  	_ =	shalt  }
0x46: {  	_ =	shalt  }
0x47: {  	_ =	shalt  }
0x48: {  	_ =	shalt  }
0x49: {  	_ =	shalt  }
0x4a: {  	_ =	shalt  }
0x4b: {  	_ =	shalt  }
0x4c: {  	_ =	shalt  }
0x4d: {  	_ =	shalt  }
0x4e: {  	_ =	shalt  }
0x4f: {  	_ =	shalt  }
0x50: {  	_ =	shalt  }
0x51: {  	_ =	shalt  }
0x52: {  	_ =	shalt  }
0x53: {  	_ =	shalt  }
0x54: {  	_ =	shalt  }
0x55: {  	_ =	shalt  }
0x56: {  	_ =	shalt  }
0x57: {  	_ =	shalt  }
0x58: {  	_ =	shalt  }
0x59: {  	_ =	shalt  }
0x5a: {  	_ =	shalt  }
0x5b: {  	_ =	shalt  }
0x5c: {  	_ =	shalt  }
0x5d: {  	_ =	shalt  }
0x5e: {  	_ =	shalt  }
0x5f: {  	_ =	shalt  }
0x60: {  	_ =	shalt  }
0x61: {  	_ =	shalt  }
0x62: {  	_ =	shalt  }
0x63: {  	_ =	shalt  }
0x64: {  	_ =	shalt  }
0x65: {  	_ =	shalt  }
0x66: {  	_ =	shalt  }
0x67: {  	_ =	shalt  }
0x68: {  	_ =	shalt  }
0x69: {  	_ =	shalt  }
0x6a: {  	_ =	shalt  }
0x6b: {  	_ =	shalt  }
0x6c: {  	_ =	shalt  }
0x6d: {  	_ =	shalt  }
0x6e: {  	_ =	shalt  }
0x6f: {  	_ =	shalt  }
0x70: {  	_ =	shalt  }
0x71: {  	_ =	shalt  }
0x72: {  	_ =	shalt  }
0x73: {  	_ =	shalt  }
0x74: {  	_ =	shalt  }
0x75: {  	_ =	shalt  }
0x76: {  	_ =	shalt  }
0x77: {  	_ =	shalt  }
0x78: {  	_ =	shalt  }
0x79: {  	_ =	shalt  }
0x7a: {  	_ =	shalt  }
0x7b: {  	_ =	shalt  }
0x7c: {  	_ =	shalt  }
0x7d: {  	_ =	shalt  }
0x7e: {  	_ =	shalt  }
0x7f: {  	_ =	shalt  }
0x80: {  	_ =	shalt  }
0x81: {  	_ =	shalt  }
0x82: {  	_ =	shalt  }
0x83: {  	_ =	shalt  }
0x84: {  	_ =	shalt  }
0x85: {  	_ =	shalt  }
0x86: {  	_ =	shalt  }
0x87: {  	_ =	shalt  }
.Lfunc_end0:
.L_simem_size_0:
called_computation_lowered:
.L_overlay_start_0:
0x88: {  	s2 =	sld [smem:$0x3FD9]  }
0x89: {  	s3 =	sld [smem:$0x3FFE];
	_ =	sdelay $0x1  }
0x8a: {  	s1 =	srdreg.scid  }
0x8b: {  	s0 =	sand.u32 $0x1, s1  }
0x8c: {  	s15 =	sshll.u32 s0, $0xA;
	s2 =	sadd.s32 s3, s2  }
0x8d: {  	s2 =	sadd.s32 s2, s15  }
0x8e: {  	[smem:$0x3FC4] =	sst s2  }
0x8f: {  	_ = 	snop  }
0x90: {  	s2 =	sld [smem:$0x3FC9]  }
0x91: {  	s16 =	sld [smem:$0x3FD0]  }
0x92: {  	s4 =	sld [smem:$0x3FC8]  }
0x93: {  	s5 =	sld [smem:$0x3FC7]  }
0x94: {  	s7 =	simm.s32 $0xA;
	s8 =	simm.s32 $0x10;
	s6 =	sld [smem:$0x3FC6]  }
0x95: {  	[smem:s8], [sflag:s7] =	dma.local [hbm:s16], $0x1  }
0x96: {  	_ =	swait.eq [sflag:s7], $0x1  }
0x97: {  	[sflag:s7] =	ssyncset.done $0x0  }
0x98: {  	s17 =	sld [smem:$0x10];
	[sflag:s7] =	ssyncadd.s32 $0xFFFFFFFF  }
0x99: {  	s18 =	sld [smem:$0x11];
	(tm) =	ssettm $0x1  }
0x9a: {  	s19 =	sld [smem:$0x3FFB];
	_ =	sdelay $0x3  }
0x9b: {  	_ =	strace s19  }
0x9c: {  	s8 =	sld [smem:$0x3FFC];
	_ =	sdelay $0x3  }
0x9d: {  	_ =	strace s8  }
0x9e: {  	s8 =	sld [smem:$0x3FFD];
	_ =	sdelay $0x3  }
0x9f: {  	_ =	strace s8  }
0xa0: {  	_ =	strace $0x8FFFFFFF  }
0xa1: {  	s20 =	sld [smem:$0x3FDB];
	_ =	sdelay $0x1  }
0xa2: {  	s9 =	simm.s32 $_scs_section_size  }
0xa3: {  	s10 =	simm.s32 $_size__tile_overlayer_lowered;
	s11 =	simm.s32 $_tile_overlayer_lowered  }
0xa4: {  	s23 =	simm.s32 $0x1BFF;
	s22 =	sshll.u32 s11, $0x1;
	s8 =	sadd.s32 s9, s20  }
0xa5: {  	s12 =	simm.s32 $0x0;
	s21 =	sshll.u32 s10, $0x1;
	s10 =	sadd.s32 s22, s8  }
0xa6: {  	[timem:s12], [sflag:s23] =	dma.local [hbm:s10], s21  }
0xa7: {  	_ =	swait.ge [sflag:s23], s21  }
0xa8: {  	s9 =	ssub.s32 $0x0, s21;
	[sflag:s23] =	ssyncset.done $0x0  }
0xa9: {  	[sflag:s23] =	ssyncadd.s32 s9;
	_ =	sdelay $0x1  }
0xaa: {  	s24 =	simm.s32 $0x1B8B  }
0xab: {  	_ =	swait.ge [sflag:s24], $0x1  }
0xac: {  	[sflag:s24] =	ssyncset.done $0x0  }
0xad: {  	s25 =	simm.s32 $0x1B8E;
	[sflag:s24] =	ssyncadd.s32 $0xFFFFFFFF  }
0xae: {  	s26 =	simm.s32 $execute0_lowered;
	[smem:$0x3FD2] =	sst s25  }
0xaf: {  	s9 =	sshll.u32 s26, $0x1;
	_ =	strace $0x80000046;
	[dreg:$0x1] =	wrdreg $0xFFFFFFFF  }
0xb0: {  	s28 =	simm.s32 $_size_execute0_lowered;
	s8 =	sadd.s32 s8, s9;
	[dreg:$0x0] =	wrdreg $0x0  }
0xb1: {  	s9 =	sshll.u32 s28, $0x1;
	[dreg:$0x2] =	wrdreg s8  }
0xb2: {  	[dreg:$0x3] =	wrdreg s9  }
0xb3: {  	[dreg:$0x4] =	wrdreg $0xC0  }
0xb4: {  	_ =	task [dreg:s12], $0x5FFFF  }
0xb5: {  	[dreg:$0x1] =	wrdreg $0xFFFFFFFF  }
0xb6: {  	[dreg:$0x0] =	wrdreg $0x60  }
0xb7: {  	[dreg:$0x2] =	wrdreg s2  }
0xb8: {  	[dreg:$0x3] =	wrdreg s4  }
0xb9: {  	[dreg:$0x4] =	wrdreg s5  }
0xba: {  	[dreg:$0x5] =	wrdreg s6  }
0xbb: {  	[dreg:$0x6] =	wrdreg s17  }
0xbc: {  	[dreg:$0x7] =	wrdreg s18  }
0xbd: {  	[dreg:$0x8] =	wrdreg $0x9  }
0xbe: {  	_ =	task.clear_ibuf [dreg:s12], $0x9FFFF;
	_ =	strace $0x90000046  }
0xbf: {  	s29 =	simm.s32 $0x9;
	_ =	strace $0x80000048  }
0xc0: {  	_ =	swait.ge [sflag:s29], $0x1  }
0xc1: {  	[sflag:s29] =	ssyncadd.s32 $0xFFFFFFFF  }
0xc2: {  	_ =	strace $0x90000048  }
0xc3: {  	_ =	sfence  }
0xc4: {  	s30 =	sld [smem:$0x0];
	_ =	sdelay $0x2  }
0xc5: {  	s31 =	sshll.u32 s1, $0xD;
	s1 =	sshrl.u32 s1, $0x2  }
0xc6: {  	s3 =	sand.u32 $0x4000, s31;
	s1 =	sadd.s32 s1, s30  }
0xc7: {  	s0 =	sor.u32 s3, s0;
	s1 =	sshll.u32 s1, $0x11  }
0xc8: {  	s0 =	sor.u32 s1, s0  }
0xc9: {  	s0 =	sadd.s32 $0x8F2B, s0  }
0xca: {  	[sflag:s0] =	ssyncadd.remote.s32 $0x1  }
0xcb: {  	_ =	sfence.sel $0xFFFF  }
0xcc: {  	[dreg:$0x0] =	wrdreg $0xFFFFFFFF;
	(pc) =	sbr.abs _section_cstart, $3  }
0xcd: {  	[dreg:$0x1] =	wrdreg $0xFFFFFFFF  }
0xce: {  	_ =	task.clear_ibuf [dreg:s12], $0x2FFFF;
	_ =	strace $0x9FFFFFFF  }
0xcf: {  	(tm) =	ssettm $0x7FFFFFFF  }
tec
execute0_lowered:
.L_overlay_start_1:
0x0: {  	(tag) =	ssettag $0x1  }
0x1: {  	s0 =	rddreg [dreg:$0x0]  }
0x2: {  	s1 =	rddreg [dreg:$0x4];
	s2 =	srdreg.scid  }
0x3: {  	s3 =	rddreg [dreg:$0x5];
	s6 =	simm.s32 $0x0;
	s8 =	stileid.u32  }
0x4: {  	s16 =	simm.s32 $0x2;
	s17 =	simm.s32 $0x1;
	s18 =	simm.s32 $0xBA80  }
0x5: {  	s19 =	simm.s32 $0x180;
	s20 =	simm.s32 $0xC280;
	s28 =	simm.s32 $0x0  }
0x6: {  	s7 =	sand.u32 $0x1, s2;
	[smem:$0x7FF] =	sst s6;
	s12 =	sshll.u32 s8, $0x1  }
0x7: {  	s5 =	sshll.u32 s8, $0x7;
	s9 =	sadd.s32 $0x100, s0;
	s10 =	sadd.s32 $0x200, s0  }
0x8: {  	s11 =	sadd.s32 $0x300, s0;
	s29 =	sshll.u32 s8, $0xE;
	s8 =	simm.s32 $0xA280  }
0x9: {  	s2 =	ssub.s32 $0x2, s7;
	_ =	strace $0x80000047;
	s26 =	sshll.u32 s7, $0x6  }
0xa: {  	s1 =	sadd.s32 s29, s1;
	s30 =	sshll.u32 s7, $0xD;
	[dreg:$0x7] =	wrdreg s7  }
0xb: {  	[dreg:$0x8] =	wrdreg s12;
	s4 =	sshrl.u32 s2, $0x1;
	s1 =	sadd.s32 s30, s1  }
.Ltmp0:
0xc: {  	s2 =	ssub.s32 s2, s4;
	s4 =	sor.u32 s5, s26;
	(pc) =	sbr.rel .LBB2_1-.Ltmp0, $4  }
0xd: {  	[dreg:$0xb] =	wrdreg s1;
	s1 =	simm.s32 $0xAA80;
	s5 =	ssub.s32 $0x2A10, s4  }
0xe: {  	v0 =	vlaneseq.u32;
	s4 =	sshrl.u32 s4, $0x3;
	s2 =	smax.u32 s2, $0x1;
	[dreg:$0x9] =	wrdreg s5  }
0xf: {  	v1 =	vimm.f32 $0.0e+00;
	vm0 =	vmmov $0xffff;
	v3 =	vshrl.u32 v0, $0x3;
	[dreg:$0xa] =	wrdreg s2;
	s31 =	sadd.s32 s4, s3;
	s5 =	simm.s32 $0x9A80  }
0x10: {  	v2 =	vand.u32 $0x7, v0;
	v4 =	vor.u32 $0x8, v0;
	v3 =	vmul.u32 $0x8, v3;
	s3 =	simm.s32 $0xB280;
	s4 =	simm.s32 $0x0;
	[dreg:$0xc] =	wrdreg s31  }
.LBB2_14:
0x11: {  	s4 =	rddreg [dreg:$0xd]  }
0x12: {  	s2 =	rddreg [dreg:$0xa];
	s4 =	sadd.s32 $0x1, s4  }
0x13: {  	p0 =	sne.s32 s4, s2  }
.Ltmp1:
0x14: {  	_ = 	snop;
	(pc) =	sbr.rel @!p0 .LBB2_15-.Ltmp1, $1  }
0x15: {  	_ =	sdelay $0x3  }
.LBB2_1:
0x16: {  	s2 =	rddreg [dreg:$0x3]  }
0x17: {  	[tilespmem:s6], [sflag:$0x2] =	stream.linear.gather [hbm4b:s2+s6], $0x100, $0x38;
	[tilespmem:$0x1E300] =	vst v63  }
.Ltmp2:
0x18: {  	[dreg:$0xd] =	wrdreg s4;
	(pc) =	sbr.rel .LBB2_2-.Ltmp2, $4  }
0x19: {  	_ =	swait.ge [sflag:s16], $0x100  }
0x1a: {  	s21 =	rddreg [dreg:$0xc]  }
0x1b: {  	[sflag:s16] =	ssyncset.done $0x0;
	s22 =	rddreg [dreg:$0xb]  }
0x1c: {  	s24 =	simm.s32 $0x0;
	s23 =	rddreg [dreg:$0x9];
	[sflag:s16] =	ssyncadd.s32 $0xFFFFFF00  }
.LBB2_12:
0x1d: {  	s7 =	rddreg [dreg:$0x7]  }
0x1e: {  	[sflag:s16] =	ssyncadd.s32 $0xFFFFFFF0;
	s12 =	rddreg [dreg:$0x8]  }
.LBB2_13:
0x1f: {  	s24 =	sadd.s32 $0x1, s24  }
0x20: {  	p0 =	sne.s32 s24, $0x6  }
.Ltmp3:
0x21: {  	_ = 	snop;
	(pc) =	sbr.rel @!p0 .LBB2_14-.Ltmp3, $2  }
0x22: {  	_ =	sdelay $0x2  }
0x23: {  	s23 =	sadd.s32 $0xFFFFF800, s23;
	s22 =	sadd.s32 $0x40000, s22;
	s21 =	sadd.s32 $0x100, s21  }
.LBB2_2:
0x24: {  	s2 =	sshll.u32 s24, $0x5  }
0x25: {  	s2 =	sor.u32 s2, s12  }
0x26: {  	s2 =	sor.u32 s7, s2  }
0x27: {  	p0 =	sgt.u32 s2, $0xA8  }
.Ltmp4:
0x28: {  	_ = 	snop;
	(pc) =	sbr.rel @p0 .LBB2_13-.Ltmp4, $1  }
0x29: {  	_ =	sdelay $0x3  }
0x2a: {  	s4 =	smin.u32 s23, $0x40  }
0x2b: {  	s4 =	sshrl.u32 s4, $0x4  }
0x2c: {  	s4 =	smax.u32 s4, $0x1  }
0x2d: {  	s7 =	simm.s32 $0xFFFF0000;
	s12 =	simm.s32 $0x0;
	s4 =	sshll.u32 s4, $0x10  }
0x2e: {  	s13 =	simm.s32 $0x0;
	[dreg:$0xe] =	wrdreg s4;
	s4 =	simm.s32 $0x0  }
.LBB2_4:
0x2f: {  	s14 =	sadd.s32 $0x10000, s7  }
0x30: {  	s15 =	sand.u32 $0x380, s13;
	s14 =	sand.u32 $0xE000, s14  }
0x31: {  	s14 =	sor.u32 s15, s14  }
0x32: {  	[tilespmem:s14+$0xC300] =	vst v1  }
0x33: {  	[tilespmem:s14+$0xC310] =	vst v1  }
0x34: {  	[tilespmem:s14+$0xC320] =	vst v1  }
0x35: {  	[tilespmem:s14+$0xC330] =	vst v1  }
0x36: {  	[tilespmem:s14+$0xC340] =	vst v1  }
0x37: {  	[tilespmem:s14+$0xC350] =	vst v1  }
0x38: {  	[tilespmem:s14+$0xC360] =	vst v1  }
0x39: {  	[tilespmem:s14+$0xC370] =	vst v1  }
0x3a: {  	[tilespmem:s14+$0xC700] =	vst v1  }
0x3b: {  	[tilespmem:s14+$0xC710] =	vst v1  }
0x3c: {  	[tilespmem:s14+$0xC720] =	vst v1  }
0x3d: {  	[tilespmem:s14+$0xC730] =	vst v1  }
0x3e: {  	[tilespmem:s14+$0xC740] =	vst v1  }
0x3f: {  	[tilespmem:s14+$0xC750] =	vst v1  }
0x40: {  	[tilespmem:s14+$0xC760] =	vst v1  }
0x41: {  	[tilespmem:s14+$0xC770] =	vst v1  }
0x42: {  	[tilespmem:s14+$0xCB00] =	vst v1  }
0x43: {  	[tilespmem:s14+$0xCB10] =	vst v1  }
0x44: {  	[tilespmem:s14+$0xCB20] =	vst v1  }
0x45: {  	[tilespmem:s14+$0xCB30] =	vst v1  }
0x46: {  	[tilespmem:s14+$0xCB40] =	vst v1  }
0x47: {  	[tilespmem:s14+$0xCB50] =	vst v1  }
0x48: {  	[tilespmem:s14+$0xCB60] =	vst v1  }
0x49: {  	[tilespmem:s14+$0xCB70] =	vst v1  }
0x4a: {  	[tilespmem:s14+$0xCF00] =	vst v1  }
0x4b: {  	[tilespmem:s14+$0xCF10] =	vst v1  }
0x4c: {  	[tilespmem:s14+$0xCF20] =	vst v1  }
0x4d: {  	[tilespmem:s14+$0xCF30] =	vst v1  }
0x4e: {  	[tilespmem:s14+$0xCF40] =	vst v1  }
0x4f: {  	[tilespmem:s14+$0xCF50] =	vst v1  }
0x50: {  	[tilespmem:s14+$0xCF60] =	vst v1  }
0x51: {  	[tilespmem:s14+$0xCF70] =	vst v1  }
0x52: {  	[tilespmem:s14+$0xD300] =	vst v1  }
0x53: {  	[tilespmem:s14+$0xD310] =	vst v1  }
0x54: {  	[tilespmem:s14+$0xD320] =	vst v1  }
0x55: {  	[tilespmem:s14+$0xD330] =	vst v1  }
0x56: {  	[tilespmem:s14+$0xD340] =	vst v1  }
0x57: {  	[tilespmem:s14+$0xD350] =	vst v1  }
0x58: {  	[tilespmem:s14+$0xD360] =	vst v1  }
0x59: {  	[tilespmem:s14+$0xD370] =	vst v1  }
0x5a: {  	[tilespmem:s14+$0xD700] =	vst v1  }
0x5b: {  	[tilespmem:s14+$0xD710] =	vst v1  }
0x5c: {  	[tilespmem:s14+$0xD720] =	vst v1  }
0x5d: {  	[tilespmem:s14+$0xD730] =	vst v1  }
0x5e: {  	[tilespmem:s14+$0xD740] =	vst v1  }
0x5f: {  	[tilespmem:s14+$0xD750] =	vst v1  }
0x60: {  	[tilespmem:s14+$0xD760] =	vst v1  }
0x61: {  	[tilespmem:s14+$0xD770] =	vst v1  }
0x62: {  	[tilespmem:s14+$0xDB00] =	vst v1  }
0x63: {  	[tilespmem:s14+$0xDB10] =	vst v1  }
0x64: {  	[tilespmem:s14+$0xDB20] =	vst v1  }
0x65: {  	[tilespmem:s14+$0xDB30] =	vst v1  }
0x66: {  	s26 =	sand.u32 $0x7, s4;
	[tilespmem:s14+$0xDB40] =	vst v1  }
0x67: {  	s15 =	sshll.u32 s26, $0x7;
	[tilespmem:s14+$0xDB50] =	vst v1  }
0x68: {  	s15 =	sadd.s32 s15, s12;
	[tilespmem:s14+$0xDB60] =	vst v1  }
0x69: {  	[tilespmem:s14+$0xDB70] =	vst v1;
	s29 =	sor.u32 $0x1C00, s15  }
0x6a: {  	s30 =	sor.u32 $0x1C10, s15;
	[tilespmem:s29+$0xC300] =	vst v1  }
0x6b: {  	s31 =	sor.u32 $0x1C20, s15;
	[tilespmem:s30+$0xC300] =	vst v1  }
0x6c: {  	p0 =	sne.s32 s13, $0x1F80;
	s25 =	sor.u32 $0x1C30, s15;
	[tilespmem:s31+$0xC300] =	vst v1  }
.Ltmp5:
0x6d: {  	s26 =	sor.u32 $0x1C40, s15;
	[tilespmem:s25+$0xC300] =	vst v1;
	(pc) =	sbr.rel @p0 .LBB2_4-.Ltmp5, $4  }
0x6e: {  	s29 =	sor.u32 $0x1C50, s15;
	[tilespmem:s26+$0xC300] =	vst v1  }
0x6f: {  	s30 =	sor.u32 $0x1C60, s15;
	[tilespmem:s29+$0xC300] =	vst v1  }
0x70: {  	s4 =	sadd.s32 $0x1, s4;
	s31 =	sor.u32 $0x1C70, s15;
	[tilespmem:s30+$0xC300] =	vst v1  }
0x71: {  	s7 =	sadd.s32 $0x400, s7;
	s13 =	sadd.s32 $0x80, s13;
	s12 =	sadd.s32 $0x400, s12;
	[tilespmem:s31+$0xC300] =	vst v1  }
0x72: {  	[tilespmem:$0xC280] =	vst v1  }
0x73: {  	[tilespmem:$0xC290] =	vst v1  }
0x74: {  	[tilespmem:$0xC2A0] =	vst v1  }
0x75: {  	[tilespmem:$0xC2B0] =	vst v1  }
0x76: {  	[tilespmem:$0xC2C0] =	vst v1  }
0x77: {  	v6 =	vld [tilespmem:s2+$0x0];
	_ =	sdelay $0x4  }
0x78: {  	(v2sf) =	vpush v6, $0x0;
	_ =	sdelay $0x6  }
0x79: {  	(v2sf) =	vpush v6, $0x1;
	_ =	sdelay $0x7  }
0x7a: {  	s4 =	spop (v2sf)  }
0x7b: {  	s7 =	sand.u32 $0x7, s4  }
0x7c: {  	s12 =	sshra.s32 s4, $0x1F;
	p0 =	slt.s32 s4, $0x1;
	p1 =	sne.s32 s7, $0x0  }
0x7d: {  	s29 =	sshrl.u32 s12, $0x1D;
	p0 =	por !p0, !p1  }
0x7e: {  	s7 =	simm.s32 $0x1;
	s4 =	sadd.s32 s29, s4;
	p0 =	por !p0, !p0  }
0x7f: {  	s4 =	sshrl.u32 s4, $0x3;
	s7 =	simm.s32 @!p0 $0x0  }
0x80: {  	s4 =	ssub.s32 s4, s7  }
0x81: {  	s30 =	spop (v2sf);
	s25 =	sshll.u32 s4, $0x3  }
0x82: {  	s4 =	ssub.s32 s30, s25  }
0x83: {  	s7 =	sadd.s32 $0x2F, s4  }
0x84: {  	s31 =	smulhi.u32 $0x2AAAAAAB, s7;
	s13 =	sshra.s32 s7, $0x1F  }
0x85: {  	s13 =	smul.u32 $0x2AAAAAAB, s13;
	_ =	sdelay $0x1  }
0x86: {  	s12 =	sadd.s32 s13, s31  }
0x87: {  	s13 =	sshrl.u32 s12, $0x1F;
	s12 =	sshra.s32 s12, $0x3  }
0x88: {  	s12 =	sadd.s32 s13, s12  }
0x89: {  	s13 =	smul.u32 $0xFFFFFFD0, s12  }
0x8a: {  	s4 =	ssub.s32 $0xFFFFFFD1, s4  }
0x8b: {  	p5 =	slt.s32 s7, $0x1;
	p6 =	sne.s32 s13, s4  }
0x8c: {  	p0 =	por !p5, !p6  }
0x8d: {  	s4 =	simm.s32 $0x1;
	p0 =	por !p0, !p0  }
0x8e: {  	s4 =	simm.s32 @!p0 $0x0  }
0x8f: {  	s26 =	ssub.s32 s12, s4  }
0x90: {  	p0 =	slt.s32 s26, $0x1  }
.Ltmp6:
0x91: {  	_ = 	snop;
	(pc) =	sbr.rel @p0 .LBB2_10-.Ltmp6, $1  }
0x92: {  	_ =	sdelay $0x3  }
0x93: {  	s2 =	sshll.u32 s2, $0x6  }
0x94: {  	v5 =	vbroadcast v6, $0x0;
	v6 =	vbroadcast v6, $0x1;
	s29 =	simm.s32 $0x0;
	v7 =	vmov s2  }
.LBB2_7:
0x95: {  	s2 =	smul.u32 $0x30, s29;
	_ =	sdelay $0x1  }
0x96: {  	s2 =	sadd.s32 s25, s2  }
0x97: {  	s7 =	rddreg [dreg:$0x1];
	s4 =	sshrl.u32 s2, $0x3  }
0x98: {  	s12 =	simm.s32 $0x100;
	s7 =	sadd.s32 s7, s4  }
0x99: {  	[tilespmem:s12], [sflag:$0x2] =	stream.linear.gather [hbm4b:s7+s28], $0x30, $0x38;
	[tilespmem:$0x1E300] =	vst v63  }
0x9a: {  	_ =	swait.ge [sflag:s16], $0x30  }
0x9b: {  	[sflag:s16] =	ssyncset.done $0x0  }
0x9c: {  	[sflag:s16] =	ssyncadd.s32 $0xFFFFFFD0  }
0x9d: {  	v8 =	vld [tilespmem:$0x100];
	_ =	sdelay $0x4  }
0x9e: {  	v9 =	vshll.u32 v8, $0x3  }
0x9f: {  	v8 =	vand.u32 $0x7, v8;
	v9 =	vand.u32 $0xFFFFFFC0, v9  }
0xa0: {  	v8 =	vor.u32 v8, v9  }
0xa1: {  	v9 =	vperm.xlane v8, v2;
	_ =	sdelay $0x1  }
0xa2: {  	v9 =	vadd.s32 v3, v9;
	_ =	sdelay $0x3  }
0xa3: {  	s15 =	simm.s32 $0x280  }
0xa4: {  	[tilespmem:s15], [sflag:$0x1] =	stream.indirect_vreg.gather [hbm4b:s0+s28], $0x80, v9, vm0, $0xb8;
	[tilespmem:$0x1E300] =	vst v63  }
0xa5: {  	s12 =	simm.s32 $0xA80;
	v8 =	vperm.xlane v8, v4  }
0xa6: {  	[tilespmem:s12], [sflag:$0x1] =	stream.indirect_vreg.gather [hbm4b:s9+s28], $0x80, v9, vm0, $0xb8;
	[tilespmem:$0x1E300] =	vst v63  }
0xa7: {  	s13 =	simm.s32 $0x1280;
	v8 =	vadd.s32 v3, v8  }
0xa8: {  	[tilespmem:s13], [sflag:$0x1] =	stream.indirect_vreg.gather [hbm4b:s10+s28], $0x80, v9, vm0, $0xb8;
	[tilespmem:$0x1E300] =	vst v63  }
0xa9: {  	s14 =	simm.s32 $0x1A80  }
0xaa: {  	[tilespmem:s14], [sflag:$0x1] =	stream.indirect_vreg.gather [hbm4b:s11+s28], $0x80, v9, vm0, $0xb8;
	[tilespmem:$0x1E300] =	vst v63  }
0xab: {  	s15 =	simm.s32 $0x2280  }
0xac: {  	[tilespmem:s15], [sflag:$0x1] =	stream.indirect_vreg.gather [hbm4b:s0+s28], $0x80, v8, vm0, $0xb8;
	[tilespmem:$0x1E300] =	vst v63  }
0xad: {  	s12 =	simm.s32 $0x2A80  }
0xae: {  	[tilespmem:s12], [sflag:$0x1] =	stream.indirect_vreg.gather [hbm4b:s9+s28], $0x80, v8, vm0, $0xb8;
	[tilespmem:$0x1E300] =	vst v63  }
0xaf: {  	s13 =	simm.s32 $0x3280  }
0xb0: {  	[tilespmem:s13], [sflag:$0x1] =	stream.indirect_vreg.gather [hbm4b:s10+s28], $0x80, v8, vm0, $0xb8;
	[tilespmem:$0x1E300] =	vst v63  }
0xb1: {  	s14 =	simm.s32 $0x3A80  }
0xb2: {  	[tilespmem:s14], [sflag:$0x1] =	stream.indirect_vreg.gather [hbm4b:s11+s28], $0x80, v8, vm0, $0xb8;
	[tilespmem:$0x1E300] =	vst v63  }
0xb3: {  	v8 =	vld [tilespmem:$0x110];
	_ =	sdelay $0x4  }
0xb4: {  	v58 =	vshll.u32 v8, $0x3  }
0xb5: {  	v8 =	vand.u32 $0x7, v8;
	v9 =	vand.u32 $0xFFFFFFC0, v58  }
0xb6: {  	v8 =	vor.u32 v8, v9  }
0xb7: {  	v9 =	vperm.xlane v8, v2;
	_ =	sdelay $0x1  }
0xb8: {  	v9 =	vadd.s32 v3, v9;
	_ =	sdelay $0x3  }
0xb9: {  	s15 =	simm.s32 $0x4280  }
0xba: {  	[tilespmem:s15], [sflag:$0x1] =	stream.indirect_vreg.gather [hbm4b:s0+s28], $0x80, v9, vm0, $0xb8;
	[tilespmem:$0x1E300] =	vst v63  }
0xbb: {  	s12 =	simm.s32 $0x4A80;
	v8 =	vperm.xlane v8, v4  }
0xbc: {  	[tilespmem:s12], [sflag:$0x1] =	stream.indirect_vreg.gather [hbm4b:s9+s28], $0x80, v9, vm0, $0xb8;
	[tilespmem:$0x1E300] =	vst v63  }
0xbd: {  	s13 =	simm.s32 $0x5280;
	v8 =	vadd.s32 v3, v8  }
0xbe: {  	[tilespmem:s13], [sflag:$0x1] =	stream.indirect_vreg.gather [hbm4b:s10+s28], $0x80, v9, vm0, $0xb8;
	[tilespmem:$0x1E300] =	vst v63  }
0xbf: {  	s14 =	simm.s32 $0x5A80  }
0xc0: {  	[tilespmem:s14], [sflag:$0x1] =	stream.indirect_vreg.gather [hbm4b:s11+s28], $0x80, v9, vm0, $0xb8;
	[tilespmem:$0x1E300] =	vst v63  }
0xc1: {  	s15 =	simm.s32 $0x6280  }
0xc2: {  	[tilespmem:s15], [sflag:$0x1] =	stream.indirect_vreg.gather [hbm4b:s0+s28], $0x80, v8, vm0, $0xb8;
	[tilespmem:$0x1E300] =	vst v63  }
0xc3: {  	s12 =	simm.s32 $0x6A80  }
0xc4: {  	[tilespmem:s12], [sflag:$0x1] =	stream.indirect_vreg.gather [hbm4b:s9+s28], $0x80, v8, vm0, $0xb8;
	[tilespmem:$0x1E300] =	vst v63  }
0xc5: {  	s13 =	simm.s32 $0x7280  }
0xc6: {  	[tilespmem:s13], [sflag:$0x1] =	stream.indirect_vreg.gather [hbm4b:s10+s28], $0x80, v8, vm0, $0xb8;
	[tilespmem:$0x1E300] =	vst v63  }
0xc7: {  	s14 =	simm.s32 $0x7A80  }
0xc8: {  	[tilespmem:s14], [sflag:$0x1] =	stream.indirect_vreg.gather [hbm4b:s11+s28], $0x80, v8, vm0, $0xb8;
	[tilespmem:$0x1E300] =	vst v63  }
0xc9: {  	v8 =	vld [tilespmem:$0x120];
	_ =	sdelay $0x4  }
0xca: {  	v59 =	vshll.u32 v8, $0x3  }
0xcb: {  	v8 =	vand.u32 $0x7, v8;
	v9 =	vand.u32 $0xFFFFFFC0, v59  }
0xcc: {  	v8 =	vor.u32 v8, v9  }
0xcd: {  	v9 =	vperm.xlane v8, v2;
	_ =	sdelay $0x1  }
0xce: {  	v9 =	vadd.s32 v3, v9;
	_ =	sdelay $0x3  }
0xcf: {  	s15 =	simm.s32 $0x8280  }
0xd0: {  	[tilespmem:s15], [sflag:$0x1] =	stream.indirect_vreg.gather [hbm4b:s0+s28], $0x80, v9, vm0, $0xb8;
	[tilespmem:$0x1E300] =	vst v63  }
0xd1: {  	s12 =	simm.s32 $0x8A80;
	v8 =	vperm.xlane v8, v4  }
0xd2: {  	[tilespmem:s12], [sflag:$0x1] =	stream.indirect_vreg.gather [hbm4b:s9+s28], $0x80, v9, vm0, $0xb8;
	[tilespmem:$0x1E300] =	vst v63  }
0xd3: {  	s13 =	simm.s32 $0x9280;
	v8 =	vadd.s32 v3, v8  }
0xd4: {  	[tilespmem:s13], [sflag:$0x1] =	stream.indirect_vreg.gather [hbm4b:s10+s28], $0x80, v9, vm0, $0xb8;
	[tilespmem:$0x1E300] =	vst v63  }
0xd5: {  	_ = 	snop  }
0xd6: {  	[tilespmem:s5], [sflag:$0x1] =	stream.indirect_vreg.gather [hbm4b:s11+s28], $0x80, v9, vm0, $0xb8;
	[tilespmem:$0x1E300] =	vst v63  }
0xd7: {  	_ = 	snop  }
0xd8: {  	[tilespmem:s8], [sflag:$0x1] =	stream.indirect_vreg.gather [hbm4b:s0+s28], $0x80, v8, vm0, $0xb8;
	[tilespmem:$0x1E300] =	vst v63  }
0xd9: {  	_ = 	snop  }
0xda: {  	[tilespmem:s1], [sflag:$0x1] =	stream.indirect_vreg.gather [hbm4b:s9+s28], $0x80, v8, vm0, $0xb8;
	[tilespmem:$0x1E300] =	vst v63  }
0xdb: {  	_ = 	snop  }
0xdc: {  	[tilespmem:s3], [sflag:$0x1] =	stream.indirect_vreg.gather [hbm4b:s10+s28], $0x80, v8, vm0, $0xb8;
	[tilespmem:$0x1E300] =	vst v63  }
0xdd: {  	s14 =	rddreg [dreg:$0x2]  }
0xde: {  	[tilespmem:s18], [sflag:$0x1] =	stream.indirect_vreg.gather [hbm4b:s11+s28], $0x80, v8, vm0, $0xb8;
	[tilespmem:$0x1E300] =	vst v63  }
0xdf: {  	s4 =	sadd.s32 s14, s4  }
0xe0: {  	[tilespmem:s19], [sflag:$0x2] =	stream.linear.gather [hbm4b:s4+s28], $0x30, $0x38;
	[tilespmem:$0x1E300] =	vst v63  }
0xe1: {  	_ =	swait.ge [sflag:s16], $0x30  }
0xe2: {  	[sflag:s16] =	ssyncset.done $0x0  }
0xe3: {  	[sflag:s16] =	ssyncadd.s32 $0xFFFFFFD0  }
0xe4: {  	v8 =	vld [tilespmem:$0x180];
	_ =	sdelay $0x2  }
0xe5: {  	v60 =	vadd.s32 s2, v0  }
0xe6: {  	vm1 =	vge.s32 v60, v5;
	vm2 =	vlt.s32 v60, v6  }
0xe7: {  	vm1 =	vmand vm1, vm2;
	v8 =	vsub.s32 v8, v7  }
0xe8: {  	v8 =	vnsel vm1, $0x40, v8;
	_ =	sdelay $0x3  }
0xe9: {  	v61 =	vsel vm1, $0x3F800000, v1  }
0xea: {  	[tilespmem:v8+s20+$0x0] =	vst.idx.add.f32.msk $0xffff, v61  }
0xeb: {  	v9 =	vld [tilespmem:$0x190];
	_ =	sdelay $0x1  }
0xec: {  	s15 =	sadd.s32 $0x10, s2  }
0xed: {  	v10 =	vadd.s32 s15, v0  }
0xee: {  	vm2 =	vlt.s32 v10, v6;
	vm1 =	vge.s32 v10, v5  }
0xef: {  	vm1 =	vmand vm1, vm2;
	v9 =	vsub.s32 v9, v7  }
0xf0: {  	v9 =	vnsel vm1, $0x40, v9;
	_ =	sdelay $0x3  }
0xf1: {  	[tilespmem:$0x200] =	vst v8;
	v8 =	vsel vm1, $0x3F800000, v1  }
0xf2: {  	[tilespmem:v9+s20+$0x0] =	vst.idx.add.f32.msk $0xffff, v8  }
0xf3: {  	v8 =	vld [tilespmem:$0x1A0];
	_ =	sdelay $0x1  }
0xf4: {  	s2 =	sadd.s32 $0x20, s2  }
0xf5: {  	v62 =	vadd.s32 s2, v0  }
0xf6: {  	vm2 =	vlt.s32 v62, v6;
	vm1 =	vge.s32 v62, v5  }
0xf7: {  	vm1 =	vmand vm1, vm2;
	v8 =	vsub.s32 v8, v7  }
0xf8: {  	v8 =	vnsel vm1, $0x40, v8;
	_ =	sdelay $0x3  }
0xf9: {  	v63 =	vsel vm1, $0x3F800000, v1;
	[tilespmem:$0x210] =	vst v9  }
0xfa: {  	[tilespmem:v8+s20+$0x0] =	vst.idx.add.f32.msk $0xffff, v63  }
0xfb: {  	[tilespmem:$0x220] =	vst v8  }
0xfc: {  	s30 =	simm.s32 $0xFFFF4000;
	_ =	swait.ge [sflag:s17], $0xC000  }
0xfd: {  	s31 =	simm.s32 $0x200;
	s7 =	simm.s32 $0x0;
	[sflag:s17] =	ssyncset.done $0x0  }
0xfe: {  	s2 =	simm.s32 $0x0;
	s4 =	simm.s32 $0x0;
	[sflag:s17] =	ssyncadd.s32 $0xFFFF4000  }
.LBB2_8:
0xff: {  	v8 =	vld [tilespmem:s31+$0x0];
	_ =	sdelay $0x4  }
0x100: {  	(v2sf) =	vpush v8, $0x0;
	_ =	sdelay $0xa  }
0x101: {  	s12 =	sadd.s32 $0xC000, s30  }
0x102: {  	s13 =	sand.u32 $0x380, s4;
	s12 =	sand.u32 $0xE000, s12  }
0x103: {  	s14 =	sor.u32 s13, s12  }
0x104: {  	v8 =	vld [tilespmem:s14+$0x280]  }
0x105: {  	s15 =	spop (v2sf)  }
0x106: {  	s13 =	sshll.u32 s15, $0xA;
	s12 =	sshll.u32 s15, $0x7  }
0x107: {  	s15 =	sand.u32 $0xFFFFE000, s13;
	s12 =	sand.u32 $0x380, s12  }
0x108: {  	s15 =	sor.u32 s12, s15  }
0x109: {  	[tilespmem:s15+$0xC300] =	vst.add.f32.msk $0xffff, v8  }
0x10a: {  	v8 =	vld [tilespmem:s14+$0x290];
	_ =	sdelay $0x4  }
0x10b: {  	[tilespmem:s15+$0xC310] =	vst.add.f32.msk $0xffff, v8  }
0x10c: {  	v8 =	vld [tilespmem:s14+$0x2A0];
	_ =	sdelay $0x4  }
0x10d: {  	[tilespmem:s15+$0xC320] =	vst.add.f32.msk $0xffff, v8  }
0x10e: {  	v8 =	vld [tilespmem:s14+$0x2B0];
	_ =	sdelay $0x4  }
0x10f: {  	[tilespmem:s15+$0xC330] =	vst.add.f32.msk $0xffff, v8  }
0x110: {  	v8 =	vld [tilespmem:s14+$0x2C0];
	_ =	sdelay $0x4  }
0x111: {  	[tilespmem:s15+$0xC340] =	vst.add.f32.msk $0xffff, v8  }
0x112: {  	v8 =	vld [tilespmem:s14+$0x2D0];
	_ =	sdelay $0x4  }
0x113: {  	[tilespmem:s15+$0xC350] =	vst.add.f32.msk $0xffff, v8  }
0x114: {  	v8 =	vld [tilespmem:s14+$0x2E0];
	_ =	sdelay $0x4  }
0x115: {  	[tilespmem:s15+$0xC360] =	vst.add.f32.msk $0xffff, v8  }
0x116: {  	v8 =	vld [tilespmem:s14+$0x2F0];
	_ =	sdelay $0x4  }
0x117: {  	[tilespmem:s15+$0xC370] =	vst.add.f32.msk $0xffff, v8  }
0x118: {  	v8 =	vld [tilespmem:s14+$0x680];
	_ =	sdelay $0x4  }
0x119: {  	[tilespmem:s15+$0xC700] =	vst.add.f32.msk $0xffff, v8  }
0x11a: {  	v8 =	vld [tilespmem:s14+$0x690];
	_ =	sdelay $0x4  }
0x11b: {  	[tilespmem:s15+$0xC710] =	vst.add.f32.msk $0xffff, v8  }
0x11c: {  	v8 =	vld [tilespmem:s14+$0x6A0];
	_ =	sdelay $0x4  }
0x11d: {  	[tilespmem:s15+$0xC720] =	vst.add.f32.msk $0xffff, v8  }
0x11e: {  	v8 =	vld [tilespmem:s14+$0x6B0];
	_ =	sdelay $0x4  }
0x11f: {  	[tilespmem:s15+$0xC730] =	vst.add.f32.msk $0xffff, v8  }
0x120: {  	v8 =	vld [tilespmem:s14+$0x6C0];
	_ =	sdelay $0x4  }
0x121: {  	[tilespmem:s15+$0xC740] =	vst.add.f32.msk $0xffff, v8  }
0x122: {  	v8 =	vld [tilespmem:s14+$0x6D0];
	_ =	sdelay $0x4  }
0x123: {  	[tilespmem:s15+$0xC750] =	vst.add.f32.msk $0xffff, v8  }
0x124: {  	v8 =	vld [tilespmem:s14+$0x6E0];
	_ =	sdelay $0x4  }
0x125: {  	[tilespmem:s15+$0xC760] =	vst.add.f32.msk $0xffff, v8  }
0x126: {  	v8 =	vld [tilespmem:s14+$0x6F0];
	_ =	sdelay $0x4  }
0x127: {  	[tilespmem:s15+$0xC770] =	vst.add.f32.msk $0xffff, v8  }
0x128: {  	v8 =	vld [tilespmem:s14+$0xA80];
	_ =	sdelay $0x4  }
0x129: {  	[tilespmem:s15+$0xCB00] =	vst.add.f32.msk $0xffff, v8  }
0x12a: {  	v8 =	vld [tilespmem:s14+$0xA90];
	_ =	sdelay $0x4  }
0x12b: {  	[tilespmem:s15+$0xCB10] =	vst.add.f32.msk $0xffff, v8  }
0x12c: {  	v8 =	vld [tilespmem:s14+$0xAA0];
	_ =	sdelay $0x4  }
0x12d: {  	[tilespmem:s15+$0xCB20] =	vst.add.f32.msk $0xffff, v8  }
0x12e: {  	v8 =	vld [tilespmem:s14+$0xAB0];
	_ =	sdelay $0x4  }
0x12f: {  	[tilespmem:s15+$0xCB30] =	vst.add.f32.msk $0xffff, v8  }
0x130: {  	v8 =	vld [tilespmem:s14+$0xAC0];
	_ =	sdelay $0x4  }
0x131: {  	[tilespmem:s15+$0xCB40] =	vst.add.f32.msk $0xffff, v8  }
0x132: {  	v8 =	vld [tilespmem:s14+$0xAD0];
	_ =	sdelay $0x4  }
0x133: {  	[tilespmem:s15+$0xCB50] =	vst.add.f32.msk $0xffff, v8  }
0x134: {  	v8 =	vld [tilespmem:s14+$0xAE0];
	_ =	sdelay $0x4  }
0x135: {  	[tilespmem:s15+$0xCB60] =	vst.add.f32.msk $0xffff, v8  }
0x136: {  	v8 =	vld [tilespmem:s14+$0xAF0];
	_ =	sdelay $0x4  }
0x137: {  	[tilespmem:s15+$0xCB70] =	vst.add.f32.msk $0xffff, v8  }
0x138: {  	v8 =	vld [tilespmem:s14+$0xE80];
	_ =	sdelay $0x4  }
0x139: {  	[tilespmem:s15+$0xCF00] =	vst.add.f32.msk $0xffff, v8  }
0x13a: {  	v8 =	vld [tilespmem:s14+$0xE90];
	_ =	sdelay $0x4  }
0x13b: {  	[tilespmem:s15+$0xCF10] =	vst.add.f32.msk $0xffff, v8  }
0x13c: {  	v8 =	vld [tilespmem:s14+$0xEA0];
	_ =	sdelay $0x4  }
0x13d: {  	[tilespmem:s15+$0xCF20] =	vst.add.f32.msk $0xffff, v8  }
0x13e: {  	v8 =	vld [tilespmem:s14+$0xEB0];
	_ =	sdelay $0x4  }
0x13f: {  	[tilespmem:s15+$0xCF30] =	vst.add.f32.msk $0xffff, v8  }
0x140: {  	v8 =	vld [tilespmem:s14+$0xEC0];
	_ =	sdelay $0x4  }
0x141: {  	[tilespmem:s15+$0xCF40] =	vst.add.f32.msk $0xffff, v8  }
0x142: {  	v8 =	vld [tilespmem:s14+$0xED0];
	_ =	sdelay $0x4  }
0x143: {  	[tilespmem:s15+$0xCF50] =	vst.add.f32.msk $0xffff, v8  }
0x144: {  	v8 =	vld [tilespmem:s14+$0xEE0];
	_ =	sdelay $0x4  }
0x145: {  	[tilespmem:s15+$0xCF60] =	vst.add.f32.msk $0xffff, v8  }
0x146: {  	v8 =	vld [tilespmem:s14+$0xEF0];
	_ =	sdelay $0x4  }
0x147: {  	[tilespmem:s15+$0xCF70] =	vst.add.f32.msk $0xffff, v8  }
0x148: {  	v8 =	vld [tilespmem:s14+$0x1280];
	_ =	sdelay $0x4  }
0x149: {  	[tilespmem:s15+$0xD300] =	vst.add.f32.msk $0xffff, v8  }
0x14a: {  	v8 =	vld [tilespmem:s14+$0x1290];
	_ =	sdelay $0x4  }
0x14b: {  	[tilespmem:s15+$0xD310] =	vst.add.f32.msk $0xffff, v8  }
0x14c: {  	v8 =	vld [tilespmem:s14+$0x12A0];
	_ =	sdelay $0x4  }
0x14d: {  	[tilespmem:s15+$0xD320] =	vst.add.f32.msk $0xffff, v8  }
0x14e: {  	v8 =	vld [tilespmem:s14+$0x12B0];
	_ =	sdelay $0x4  }
0x14f: {  	[tilespmem:s15+$0xD330] =	vst.add.f32.msk $0xffff, v8  }
0x150: {  	v8 =	vld [tilespmem:s14+$0x12C0];
	_ =	sdelay $0x4  }
0x151: {  	[tilespmem:s15+$0xD340] =	vst.add.f32.msk $0xffff, v8  }
0x152: {  	v8 =	vld [tilespmem:s14+$0x12D0];
	_ =	sdelay $0x4  }
0x153: {  	[tilespmem:s15+$0xD350] =	vst.add.f32.msk $0xffff, v8  }
0x154: {  	v8 =	vld [tilespmem:s14+$0x12E0];
	_ =	sdelay $0x4  }
0x155: {  	[tilespmem:s15+$0xD360] =	vst.add.f32.msk $0xffff, v8  }
0x156: {  	v8 =	vld [tilespmem:s14+$0x12F0];
	_ =	sdelay $0x4  }
0x157: {  	[tilespmem:s15+$0xD370] =	vst.add.f32.msk $0xffff, v8  }
0x158: {  	v8 =	vld [tilespmem:s14+$0x1680];
	_ =	sdelay $0x4  }
0x159: {  	[tilespmem:s15+$0xD700] =	vst.add.f32.msk $0xffff, v8  }
0x15a: {  	v8 =	vld [tilespmem:s14+$0x1690];
	_ =	sdelay $0x4  }
0x15b: {  	[tilespmem:s15+$0xD710] =	vst.add.f32.msk $0xffff, v8  }
0x15c: {  	v8 =	vld [tilespmem:s14+$0x16A0];
	_ =	sdelay $0x4  }
0x15d: {  	[tilespmem:s15+$0xD720] =	vst.add.f32.msk $0xffff, v8  }
0x15e: {  	v8 =	vld [tilespmem:s14+$0x16B0];
	_ =	sdelay $0x4  }
0x15f: {  	[tilespmem:s15+$0xD730] =	vst.add.f32.msk $0xffff, v8  }
0x160: {  	v8 =	vld [tilespmem:s14+$0x16C0];
	_ =	sdelay $0x4  }
0x161: {  	[tilespmem:s15+$0xD740] =	vst.add.f32.msk $0xffff, v8  }
0x162: {  	v8 =	vld [tilespmem:s14+$0x16D0];
	_ =	sdelay $0x4  }
0x163: {  	[tilespmem:s15+$0xD750] =	vst.add.f32.msk $0xffff, v8  }
0x164: {  	v8 =	vld [tilespmem:s14+$0x16E0];
	_ =	sdelay $0x4  }
0x165: {  	[tilespmem:s15+$0xD760] =	vst.add.f32.msk $0xffff, v8  }
0x166: {  	v8 =	vld [tilespmem:s14+$0x16F0];
	_ =	sdelay $0x4  }
0x167: {  	[tilespmem:s15+$0xD770] =	vst.add.f32.msk $0xffff, v8  }
0x168: {  	v8 =	vld [tilespmem:s14+$0x1A80];
	_ =	sdelay $0x4  }
0x169: {  	[tilespmem:s15+$0xDB00] =	vst.add.f32.msk $0xffff, v8  }
0x16a: {  	v8 =	vld [tilespmem:s14+$0x1A90];
	_ =	sdelay $0x4  }
0x16b: {  	[tilespmem:s15+$0xDB10] =	vst.add.f32.msk $0xffff, v8  }
0x16c: {  	v8 =	vld [tilespmem:s14+$0x1AA0];
	_ =	sdelay $0x4  }
0x16d: {  	[tilespmem:s15+$0xDB20] =	vst.add.f32.msk $0xffff, v8  }
0x16e: {  	v8 =	vld [tilespmem:s14+$0x1AB0];
	_ =	sdelay $0x4  }
0x16f: {  	[tilespmem:s15+$0xDB30] =	vst.add.f32.msk $0xffff, v8  }
0x170: {  	v8 =	vld [tilespmem:s14+$0x1AC0];
	_ =	sdelay $0x4  }
0x171: {  	[tilespmem:s15+$0xDB40] =	vst.add.f32.msk $0xffff, v8  }
0x172: {  	v8 =	vld [tilespmem:s14+$0x1AD0];
	_ =	sdelay $0x4  }
0x173: {  	[tilespmem:s15+$0xDB50] =	vst.add.f32.msk $0xffff, v8  }
0x174: {  	v8 =	vld [tilespmem:s14+$0x1AE0];
	_ =	sdelay $0x4  }
0x175: {  	[tilespmem:s15+$0xDB60] =	vst.add.f32.msk $0xffff, v8  }
0x176: {  	v8 =	vld [tilespmem:s14+$0x1AF0];
	_ =	sdelay $0x1  }
0x177: {  	s14 =	sand.u32 $0x7, s2  }
0x178: {  	s14 =	sshll.u32 s14, $0x7  }
0x179: {  	s14 =	sadd.s32 s14, s7  }
0x17a: {  	[tilespmem:s15+$0xDB70] =	vst.add.f32.msk $0xffff, v8;
	s15 =	sor.u32 $0x1C00, s14  }
0x17b: {  	v8 =	vld [tilespmem:s15+$0x280];
	_ =	sdelay $0x2  }
0x17c: {  	s12 =	sor.u32 s13, s12  }
0x17d: {  	s13 =	sor.u32 $0x1C00, s12  }
0x17e: {  	s15 =	sor.u32 $0x1C10, s14;
	[tilespmem:s13+$0xC300] =	vst.add.f32.msk $0xffff, v8  }
0x17f: {  	v8 =	vld [tilespmem:s15+$0x280];
	_ =	sdelay $0x3  }
0x180: {  	s15 =	sor.u32 $0x1C10, s12  }
0x181: {  	[tilespmem:s15+$0xC300] =	vst.add.f32.msk $0xffff, v8;
	s15 =	sor.u32 $0x1C20, s14  }
0x182: {  	v8 =	vld [tilespmem:s15+$0x280];
	_ =	sdelay $0x3  }
0x183: {  	s15 =	sor.u32 $0x1C20, s12  }
0x184: {  	[tilespmem:s15+$0xC300] =	vst.add.f32.msk $0xffff, v8;
	s15 =	sor.u32 $0x1C30, s14  }
0x185: {  	v8 =	vld [tilespmem:s15+$0x280];
	_ =	sdelay $0x3  }
0x186: {  	s15 =	sor.u32 $0x1C30, s12  }
0x187: {  	[tilespmem:s15+$0xC300] =	vst.add.f32.msk $0xffff, v8;
	s15 =	sor.u32 $0x1C40, s14  }
0x188: {  	v8 =	vld [tilespmem:s15+$0x280];
	_ =	sdelay $0x3  }
0x189: {  	s15 =	sor.u32 $0x1C40, s12  }
0x18a: {  	[tilespmem:s15+$0xC300] =	vst.add.f32.msk $0xffff, v8;
	s15 =	sor.u32 $0x1C50, s14  }
0x18b: {  	v8 =	vld [tilespmem:s15+$0x280];
	_ =	sdelay $0x3  }
0x18c: {  	s15 =	sor.u32 $0x1C50, s12  }
0x18d: {  	[tilespmem:s15+$0xC300] =	vst.add.f32.msk $0xffff, v8;
	s15 =	sor.u32 $0x1C60, s14  }
0x18e: {  	v8 =	vld [tilespmem:s15+$0x280];
	_ =	sdelay $0x3  }
0x18f: {  	s15 =	sor.u32 $0x1C60, s12  }
0x190: {  	[tilespmem:s15+$0xC300] =	vst.add.f32.msk $0xffff, v8;
	s15 =	sor.u32 $0x1C70, s14  }
0x191: {  	p0 =	sne.s32 s4, $0x1780;
	v8 =	vld [tilespmem:s15+$0x280]  }
.Ltmp7:
0x192: {  	_ = 	snop;
	(pc) =	sbr.rel @p0 .LBB2_8-.Ltmp7, $3  }
0x193: {  	_ =	sdelay $0x1  }
0x194: {  	s30 =	sadd.s32 $0x400, s30;
	s31 =	sadd.s32 $0x1, s31;
	s12 =	sor.u32 $0x1C70, s12  }
0x195: {  	s4 =	sadd.s32 $0x80, s4;
	s2 =	sadd.s32 $0x1, s2;
	s7 =	sadd.s32 $0x400, s7;
	[tilespmem:s12+$0xC300] =	vst.add.f32.msk $0xffff, v8  }
0x196: {  	s29 =	sadd.s32 $0x1, s29  }
0x197: {  	p0 =	sne.s32 s29, s26  }
.Ltmp8:
0x198: {  	_ = 	snop;
	(pc) =	sbr.rel @p0 .LBB2_7-.Ltmp8, $1  }
0x199: {  	_ =	sdelay $0x3  }
.LBB2_10:
0x19a: {  	s2 =	simm.s32 $0xC300  }
0x19b: {  	[hbm4b:s22+s6] =	stream.linear.scatter [tilespmem:s2], [sflag:$0x2], $0x4000, $0x38;
	[tilespmem:$0x1E300] =	vst v63  }
0x19c: {  	_ =	swait.ge [sflag:s16], $0x4000  }
0x19d: {  	s31 =	rddreg [dreg:$0xe]  }
0x19e: {  	p0 =	sne.s32 s31, $0x10000  }
.Ltmp9:
0x19f: {  	[sflag:s16] =	ssyncset.done $0x0;
	(pc) =	sbr.rel @!p0 .LBB2_12-.Ltmp9, $4  }
0x1a0: {  	s4 =	simm.s32 $0xC280;
	[sflag:s16] =	ssyncadd.s32 $0xFFFFC000  }
0x1a1: {  	[hbm4b:s21+s6] =	stream.linear.scatter [tilespmem:s4], [sflag:$0x2], $0x10, $0x38;
	[tilespmem:$0x1E300] =	vst v63  }
0x1a2: {  	s7 =	sadd.s32 $0x2, s21;
	s12 =	simm.s32 $0xC290;
	_ =	swait.ge [sflag:s16], $0x10  }
0x1a3: {  	s13 =	smov.u32 s22;
	s4 =	sadd.s32 $0xFFFF0000, s31;
	[sflag:s16] =	ssyncset.done $0x0  }
.LBB2_11:
0x1a4: {  	[sflag:s16] =	ssyncadd.s32 $0xFFFFFFF0;
	s2 =	sadd.s32 $0x4000, s2;
	s13 =	sadd.s32 $0x800, s13  }
0x1a5: {  	[hbm4b:s13+s6] =	stream.linear.scatter [tilespmem:s2], [sflag:$0x2], $0x4000, $0x38;
	[tilespmem:$0x1E300] =	vst v63  }
0x1a6: {  	p0 =	sne.s32 s4, $0x10000;
	s4 =	sadd.s32 $0xFFFF0000, s4;
	_ =	swait.ge [sflag:s16], $0x4000  }
.Ltmp10:
0x1a7: {  	[sflag:s16] =	ssyncset.done $0x0;
	(pc) =	sbr.rel @p0 .LBB2_11-.Ltmp10, $4  }
0x1a8: {  	[sflag:s16] =	ssyncadd.s32 $0xFFFFC000  }
0x1a9: {  	[hbm4b:s7+s6] =	stream.linear.scatter [tilespmem:s12], [sflag:$0x2], $0x10, $0x38;
	[tilespmem:$0x1E300] =	vst v63  }
0x1aa: {  	_ =	swait.ge [sflag:s16], $0x10  }
0x1ab: {  	s7 =	sadd.s32 $0x2, s7;
	s12 =	sadd.s32 $0x10, s12;
	[sflag:s16] =	ssyncset.done $0x0  }
.Ltmp11:
0x1ac: {  	_ = 	snop;
	(pc) =	sbr.rel .LBB2_12-.Ltmp11, $1  }
0x1ad: {  	_ =	sdelay $0x3  }
.LBB2_15:
0x1ae: {  	_ =	sfence.sel $0x180000  }
0x1af: {  	[bflag:$0x0] =	sbarrier.arrive $0xFFFF  }
0x1b0: {  	_ =	strace $0x90000047  }
0x1b1: {  	s0 =	stileid.u32;
	[bflag:$0x2] =	sbarrier.arrive $0xFFFF  }
0x1b2: {  	p0 =	sne.s32 s0, $0x0;
	s0 =	rddreg [dreg:$0x6]  }
0x1b3: {  	s0 =	sadd.s32 @!p0 $0x100000, s0  }
0x1b4: {  	[sflag:s0] =	ssyncadd.tile.s32 @!p0 $0x1;
	_ =	shalt  }
.Lfunc_end2:
_tile_overlayer_lowered:
.L_overlay_start_2:
0x1b5: {  	(tag) =	ssettag $0x2  }
0x1b6: {  	s0 =	rddreg [dreg:$0x0];
	s2 =	stileid.u32  }
0x1b7: {  	s1 =	rddreg [dreg:$0x1];
	p0 =	sne.s32 s2, $0x0  }
0x1b8: {  	s3 =	rddreg [dreg:$0x2];
	[bflag:$0x3] =	sbarrier.arrive $0xFFFF;
	s2 =	simm.s32 @!p0 $0x1C02  }
0x1b9: {  	[timem:s3], [sflag:s2] =	dma.local @!p0 [hbm:s0], s1  }
0x1ba: {  	s0 =	simm.s32 @!p0 $0x2  }
0x1bb: {  	_ =	swait.ge @!p0 [sflag:s0], s1  }
0x1bc: {  	s1 =	ssub.s32 @!p0 $0x0, s1;
	[sflag:s0] =	ssyncset.done @!p0 $0x0  }
0x1bd: {  	[sflag:s0] =	ssyncadd.s32 @!p0 s1  }
0x1be: {  	[bflag:$0x3] =	sbarrier.arrive $0xFFFF  }
0x1bf: {  	_ =	shalt  }

</sc_bundles>
